<compile_context>
chip_gen: v7x
topology: tpu7x:2x2x1
jax: 0.10.2.dev20260603
libtpu: 0.0.44.dev20260713+nightly
codegen_flags: <defaults>
</compile_context>

<pallas_src>
import functools

import jax
import jax.numpy as jnp
from jax import lax
from jax.experimental import pallas as pl
from jax.experimental.pallas import tpu as pltpu
from jax.experimental.pallas import tpu_sc as plsc

B = 1024
F = 128
BITS = 8
ENC = F * BITS
H = 2048
K = 32
C = 1000

NC = 2
NS = 16
NW = NC * NS
ROWS_W = H // NW
BUFW = ROWS_W * ENC

_HB = 512
_OB = 512

_SC_MESH = plsc.VectorSubcoreMesh(
    core_axis_name="c", subcore_axis_name="s",
    num_cores=NC, num_subcores=NS)


def _sc_build_body(idx_ref, w_ref, wt_ref, buf, idx_v, w_v, *, prev, permute):
    wid = lax.axis_index("s") * NC + lax.axis_index("c")
    rows = BUFW // prev
    nchunks = ROWS_W // rows
    vec_per_row = prev // 16
    kper = K // 16

    def zero_body(i, _):
        r = i // (vec_per_row // 8)
        base = (i % (vec_per_row // 8)) * 128
        for j in range(8):
            buf[r, pl.ds(base + j * 16, 16)] = jnp.zeros((16,), jnp.float32)
        return 0

    lax.fori_loop(0, rows * (vec_per_row // 8), zero_body, 0)

    def scatter(sign):
        def body(u, _):
            r = u // kper
            iv = idx_v[r, pl.ds((u % kper) * 16, 16)]
            if permute:
                iv = (iv & (BITS - 1)) * F + (iv >> 3)
            wv = w_v[r, pl.ds((u % kper) * 16, 16)]
            rv = jnp.full((16,), r, jnp.int32)
            plsc.addupdate_scatter(buf, [rv, iv], wv * sign)
            return 0

        lax.fori_loop(0, rows * kper, body, 0)

    for cid in range(nchunks):
        row0 = wid * ROWS_W + cid * rows
        pltpu.sync_copy(idx_ref.at[pl.ds(row0, rows)], idx_v.at[pl.ds(0, rows)])
        pltpu.sync_copy(w_ref.at[pl.ds(row0, rows)], w_v.at[pl.ds(0, rows)])
        scatter(1.0)
        pltpu.sync_copy(buf, wt_ref.at[pl.ds(row0, rows)])
        if cid + 1 < nchunks:
            scatter(-1.0)


def _sc_build(idx, w, prev, permute):
    rows = BUFW // prev
    body = functools.partial(_sc_build_body, prev=prev, permute=permute)
    return pl.kernel(
        body,
        out_type=jax.ShapeDtypeStruct((H, prev), jnp.float32),
        mesh=_SC_MESH,
        scratch_types=[
            pltpu.VMEM((rows, prev), jnp.float32),
            pltpu.VMEM((ROWS_W, K), jnp.int32),
            pltpu.VMEM((ROWS_W, K), jnp.float32),
        ],
        compiler_params=pltpu.CompilerParams(needs_layout_passes=False),
    )(idx, w)


def _wout_cast_kernel(src_ref, dst_ref):
    dst_ref[...] = src_ref[...].astype(jnp.bfloat16)


def _wout_cast(wout):
    return pl.pallas_call(
        _wout_cast_kernel,
        grid=(3, H // 512),
        in_specs=[pl.BlockSpec((1, 512, C), lambda l, i: (l, i, 0))],
        out_specs=pl.BlockSpec((1, 512, C), lambda l, i: (l, i, 0)),
        out_shape=jax.ShapeDtypeStruct((3, H, C), jnp.bfloat16),
        compiler_params=pltpu.CompilerParams(
            dimension_semantics=("parallel", "parallel")),
    )(wout)


def _act0_kernel(x_ref, wt_ref, act_ref):
    x = x_ref[...]
    code = jnp.concatenate(
        [(x > (j + 0.5) * (1.0 / BITS)).astype(jnp.bfloat16)
         for j in range(BITS)], axis=1)
    wt = wt_ref[...].astype(jnp.bfloat16)
    z = lax.dot_general(code, wt, (((1,), (1,)), ((), ())),
                        preferred_element_type=jnp.float32)
    act_ref[...] = (z > 0.0).astype(jnp.bfloat16)


def _act_kernel(act_in_ref, wt_ref, act_ref):
    wt = wt_ref[...].astype(jnp.bfloat16)
    z = lax.dot_general(act_in_ref[...], wt, (((1,), (1,)), ((), ())),
                        preferred_element_type=jnp.float32)
    act_ref[...] = (z > 0.0).astype(jnp.bfloat16)


def _act0(x, wt0):
    return pl.pallas_call(
        _act0_kernel,
        grid=(H // _HB,),
        in_specs=[
            pl.BlockSpec((B, F), lambda i: (0, 0)),
            pl.BlockSpec((_HB, ENC), lambda i: (i, 0)),
        ],
        out_specs=pl.BlockSpec((B, _HB), lambda i: (0, i)),
        out_shape=jax.ShapeDtypeStruct((B, H), jnp.bfloat16),
        compiler_params=pltpu.CompilerParams(
            dimension_semantics=("parallel",)),
    )(x, wt0)


def _act(act_in, wt):
    return pl.pallas_call(
        _act_kernel,
        grid=(H // _HB,),
        in_specs=[
            pl.BlockSpec((B, H), lambda i: (0, 0)),
            pl.BlockSpec((_HB, H), lambda i: (i, 0)),
        ],
        out_specs=pl.BlockSpec((B, _HB), lambda i: (0, i)),
        out_shape=jax.ShapeDtypeStruct((B, H), jnp.bfloat16),
        compiler_params=pltpu.CompilerParams(
            dimension_semantics=("parallel",)),
    )(act_in, wt)


def _out_kernel(a1_ref, a2_ref, a3_ref, wo_ref, out_ref):
    acc = jnp.dot(a1_ref[...], wo_ref[0],
                  preferred_element_type=jnp.float32)
    acc = acc + jnp.dot(a2_ref[...], wo_ref[1],
                        preferred_element_type=jnp.float32)
    acc = acc + jnp.dot(a3_ref[...], wo_ref[2],
                        preferred_element_type=jnp.float32)
    out_ref[...] = acc


def _out(a1, a2, a3, wo):
    return pl.pallas_call(
        _out_kernel,
        grid=(B // _OB,),
        in_specs=[
            pl.BlockSpec((_OB, H), lambda i: (i, 0)),
            pl.BlockSpec((_OB, H), lambda i: (i, 0)),
            pl.BlockSpec((_OB, H), lambda i: (i, 0)),
            pl.BlockSpec((3, H, C), lambda i: (0, 0, 0)),
        ],
        out_specs=pl.BlockSpec((_OB, C), lambda i: (i, 0)),
        out_shape=jax.ShapeDtypeStruct((B, C), jnp.float32),
        compiler_params=pltpu.CompilerParams(
            dimension_semantics=("parallel",)),
    )(a1, a2, a3, wo)


def kernel(x, idx0, w0, idx1, w1, idx2, w2, Wout):
    wo = _wout_cast(Wout)
    wt0 = _sc_build(idx0, w0, ENC, True)
    wt1 = _sc_build(idx1, w1, H, False)
    wt2 = _sc_build(idx2, w2, H, False)
    act1 = _act0(x, wt0)
    act2 = _act(act1, wt1)
    act3 = _act(act2, wt2)
    return _out(act1, act2, act3, wo)

# --- scband reference (transcript-rebuilt; emitter-appended) ---
"""Pipeline reference for scband-eisanimodel-26903675142561 (READ-ONLY COPY).

The authoritative reference and input builder live on the scoring server;
editing this copy changes nothing except your own understanding.
"""

import jax, jax.numpy as jnp
import numpy as np

B = 1024      # batchSize
F = 128       # numberOfFeatures
BITS = 8      # EISANITABcontinuousVarEncodingNumBits
ENC = F * BITS  # encodedFeatureSize = 1024
H = 2048      # hiddenLayerSize
L = 3         # numberOfHiddenLayers = numberOfLayers - 1
K = 32        # numberOfSynapsesPerSegment
C = 1000      # numberOfClasses


def setup_inputs(seed: int = 0) -> dict:
    key = jax.random.key(seed)
    ks = jax.random.split(key, 2 * L + 2)
    x = jax.random.uniform(ks[0], (B, F), dtype=jnp.float32)
    inp = {"x": x}
    prev = ENC
    for l in range(L):
        idx = jax.random.randint(ks[1 + 2 * l], (H, K), 0, prev)
        sign = jnp.where(jax.random.bernoulli(ks[2 + 2 * l], 0.5, (H, K)), 1.0, -1.0).astype(jnp.float32)
        inp[f"idx{l}"] = idx
        inp[f"w{l}"] = sign
        prev = H
    inp["Wout"] = jax.random.normal(ks[2 * L + 1], (L, H, C), dtype=jnp.float32) * 0.01
    return inp


def _encode_tabular(x):
    # thermometer (gray-code-like) continuous variable encoding to BITS bits per feature
    thresholds = (jnp.arange(BITS, dtype=jnp.float32) + 0.5) / BITS
    code = (x[:, :, None] > thresholds[None, None, :]).astype(jnp.float32)
    return code.reshape(x.shape[0], ENC)


def _build_dense_weight(idx, w, prev_size):
    # scatter-add sparse synapse list (idx: [H,K] presyn indices, w: [H,K] +/-1 weights)
    # into a dense [prev_size, H] connection matrix, matching the sparse
    # hiddenConnectionMatrix semantics of EISANImodel.
    rows = idx.reshape(-1)
    cols = jnp.repeat(jnp.arange(H, dtype=jnp.int32), K)
    Wl = jnp.zeros((prev_size, H), dtype=jnp.float32).at[rows, cols].add(w.reshape(-1))
    return Wl


def reference(x, idx0, w0, idx1, w1, idx2, w2, Wout):
    act = _encode_tabular(x)
    prev = ENC
    idxs = [idx0, idx1, idx2]
    ws = [w0, w1, w2]
    out = jnp.zeros((x.shape[0], C), dtype=jnp.float32)
    for l in range(L):
        Wl = _build_dense_weight(idxs[l], ws[l], prev)
        z = act @ Wl
        act = (z > 0.0).astype(jnp.float32)  # binary segment activation
        out = out + act @ Wout[l]            # accumulate class scores from every hidden layer
        prev = H
    return out

if __name__ == "__main__":
    import jax
    _d = setup_inputs()
    print(jax.jit(kernel)(*tuple(_d.values())))

</pallas_src>

<mosaic_0001>
#map = affine_map<(d0, d1) -> (0, 0)>
module attributes {stable_mosaic.version = 14 : i64} {
  func.func @_sc_build_body(%arg0: i32, %arg1: i32, %arg2: memref<2048x32xi32, #tpu.memory_space<hbm>>, %arg3: memref<2048x32xf32, #tpu.memory_space<hbm>>, %arg4: memref<2048x1024xf32, #tpu.memory_space<hbm>>, %arg5: memref<64x1024xf32, #tpu.memory_space<vmem>>, %arg6: memref<64x32xi32, #tpu.memory_space<vmem>>, %arg7: memref<64x32xf32, #tpu.memory_space<vmem>>) attributes {dimension_semantics = [#tpu.dimension_semantics<core_parallel>, #tpu.dimension_semantics<subcore_parallel>], iteration_bounds = array<i64: 2, 16>, scalar_prefetch = 0 : i64, scratch_operands = 3 : i64, tpu.core_type = #tpu.core_type<sc_vector_subcore>, window_params = [{transform_indices = #map}, {transform_indices = #map}, {transform_indices = #map}]} {
    %mul3A = arith.constant 2 : i32
    %mul3A_0 = arith.muli %arg1, %mul3A : i32
    %add3A = arith.addi %mul3A_0, %arg0 : i32
    %scan3A = arith.constant 0 : i32
    %scan3A_1 = arith.constant 0 : i32
    %scan3A_2 = arith.constant 512 : i32
    %scan3A_3 = arith.addi %scan3A_1, %scan3A_2 : i32
    %scan3A_4 = arith.constant 1 : i32
    %scan3A_5 = scf.for %scan3A_18 = %scan3A_1 to %scan3A_3 step %scan3A_4 iter_args(%scan3A_19 = %scan3A) -> (i32)  : i32 {
      %jit3A = arith.constant 8 : i32
      %div3A = arith.divsi %scan3A_18, %jit3A : i32
      %sign3A = arith.constant 0 : i32
      %sign3A_20 = arith.cmpi sgt, %scan3A_18, %sign3A : i32
      %sign3A_21 = arith.extui %sign3A_20 : i1 to i32
      %sign3A_22 = arith.constant 0 : i32
      %sign3A_23 = arith.cmpi slt, %scan3A_18, %sign3A_22 : i32
      %sign3A_24 = arith.extui %sign3A_23 : i1 to i32
      %sign3A_25 = arith.subi %sign3A_21, %sign3A_24 : i32
      %sign3A_26 = arith.constant 0 : i32
      %sign3A_27 = arith.cmpi sgt, %jit3A, %sign3A_26 : i32
      %sign3A_28 = arith.extui %sign3A_27 : i1 to i32
      %sign3A_29 = arith.constant 0 : i32
      %sign3A_30 = arith.cmpi slt, %jit3A, %sign3A_29 : i32
      %sign3A_31 = arith.extui %sign3A_30 : i1 to i32
      %sign3A_32 = arith.subi %sign3A_28, %sign3A_31 : i32
      %ne3A = arith.cmpi ne, %sign3A_25, %sign3A_32 : i32
      %rem3A = arith.remsi %scan3A_18, %jit3A : i32
      %ne3A_33 = arith.constant 0 : i32
      %ne3A_34 = arith.cmpi ne, %rem3A, %ne3A_33 : i32
      %and3A = arith.andi %ne3A, %ne3A_34 : i1
      %sub3A = arith.constant 1 : i32
      %sub3A_35 = arith.subi %div3A, %sub3A : i32
      %select_n3A = arith.select %and3A, %sub3A_35, %div3A : i32
      %jit3A_36 = arith.constant 8 : i32
      %eq3A = arith.constant 0 : i32
      %eq3A_37 = arith.cmpi eq, %jit3A_36, %eq3A : i32
      %jit3A_38 = arith.constant 1 : i32
      %select_n3A_39 = arith.select %eq3A_37, %jit3A_38, %jit3A_36 : i32
      %rem3A_40 = arith.remsi %scan3A_18, %select_n3A_39 : i32
      %ne3A_41 = arith.constant 0 : i32
      %ne3A_42 = arith.cmpi ne, %rem3A_40, %ne3A_41 : i32
      %lt3A = arith.constant 0 : i32
      %lt3A_43 = arith.cmpi slt, %rem3A_40, %lt3A : i32
      %lt3A_44 = arith.constant 0 : i32
      %lt3A_45 = arith.cmpi slt, %select_n3A_39, %lt3A_44 : i32
      %ne3A_46 = arith.xori %lt3A_43, %lt3A_45 : i1
      %and3A_47 = arith.andi %ne3A_46, %ne3A_42 : i1
      %add3A_48 = arith.addi %rem3A_40, %select_n3A_39 : i32
      %select_n3A_49 = arith.select %and3A_47, %add3A_48, %rem3A_40 : i32
      %mul3A_50 = arith.constant 128 : i32
      %mul3A_51 = arith.muli %select_n3A_49, %mul3A_50 : i32
      %broadcast_in_dim3A = arith.constant 0.000000e+00 : f32
      %broadcast_in_dim3A_52 = vector.broadcast %broadcast_in_dim3A : f32 to vector<16xf32>
      %add3A_53 = arith.constant 0 : i32
      %add3A_54 = arith.addi %mul3A_51, %add3A_53 : i32
      %swap3A = arith.index_cast %select_n3A : i32 to index
      %swap3A_55 = arith.index_cast %add3A_54 : i32 to index
      %swap3A_56 = tpu.vector_load %arg5[%swap3A, %swap3A_55] {strides = array<i32>} : memref<64x1024xf32, #tpu.memory_space<vmem>>, vector<16xf32>,
      tpu.vector_store %arg5[%swap3A, %swap3A_55], %broadcast_in_dim3A_52 {strides = array<i32>} : memref<64x1024xf32, #tpu.memory_space<vmem>>, vector<16xf32>,
      %broadcast_in_dim3A_57 = arith.constant 0.000000e+00 : f32
      %broadcast_in_dim3A_58 = vector.broadcast %broadcast_in_dim3A_57 : f32 to vector<16xf32>
      %add3A_59 = arith.constant 16 : i32
      %add3A_60 = arith.addi %mul3A_51, %add3A_59 : i32
      %swap3A_61 = arith.index_cast %select_n3A : i32 to index
      %swap3A_62 = arith.index_cast %add3A_60 : i32 to index
      %swap3A_63 = tpu.vector_load %arg5[%swap3A_61, %swap3A_62] {strides = array<i32>} : memref<64x1024xf32, #tpu.memory_space<vmem>>, vector<16xf32>,
      tpu.vector_store %arg5[%swap3A_61, %swap3A_62], %broadcast_in_dim3A_58 {strides = array<i32>} : memref<64x1024xf32, #tpu.memory_space<vmem>>, vector<16xf32>,
      %broadcast_in_dim3A_64 = arith.constant 0.000000e+00 : f32
      %broadcast_in_dim3A_65 = vector.broadcast %broadcast_in_dim3A_64 : f32 to vector<16xf32>
      %add3A_66 = arith.constant 32 : i32
      %add3A_67 = arith.addi %mul3A_51, %add3A_66 : i32
      %swap3A_68 = arith.index_cast %select_n3A : i32 to index
      %swap3A_69 = arith.index_cast %add3A_67 : i32 to index
      %swap3A_70 = tpu.vector_load %arg5[%swap3A_68, %swap3A_69] {strides = array<i32>} : memref<64x1024xf32, #tpu.memory_space<vmem>>, vector<16xf32>,
      tpu.vector_store %arg5[%swap3A_68, %swap3A_69], %broadcast_in_dim3A_65 {strides = array<i32>} : memref<64x1024xf32, #tpu.memory_space<vmem>>, vector<16xf32>,
      %broadcast_in_dim3A_71 = arith.constant 0.000000e+00 : f32
      %broadcast_in_dim3A_72 = vector.broadcast %broadcast_in_dim3A_71 : f32 to vector<16xf32>
      %add3A_73 = arith.constant 48 : i32
      %add3A_74 = arith.addi %mul3A_51, %add3A_73 : i32
      %swap3A_75 = arith.index_cast %select_n3A : i32 to index
      %swap3A_76 = arith.index_cast %add3A_74 : i32 to index
      %swap3A_77 = tpu.vector_load %arg5[%swap3A_75, %swap3A_76] {strides = array<i32>} : memref<64x1024xf32, #tpu.memory_space<vmem>>, vector<16xf32>,
      tpu.vector_store %arg5[%swap3A_75, %swap3A_76], %broadcast_in_dim3A_72 {strides = array<i32>} : memref<64x1024xf32, #tpu.memory_space<vmem>>, vector<16xf32>,
      %broadcast_in_dim3A_78 = arith.constant 0.000000e+00 : f32
      %broadcast_in_dim3A_79 = vector.broadcast %broadcast_in_dim3A_78 : f32 to vector<16xf32>
      %add3A_80 = arith.constant 64 : i32
      %add3A_81 = arith.addi %mul3A_51, %add3A_80 : i32
      %swap3A_82 = arith.index_cast %select_n3A : i32 to index
      %swap3A_83 = arith.index_cast %add3A_81 : i32 to index
      %swap3A_84 = tpu.vector_load %arg5[%swap3A_82, %swap3A_83] {strides = array<i32>} : memref<64x1024xf32, #tpu.memory_space<vmem>>, vector<16xf32>,
      tpu.vector_store %arg5[%swap3A_82, %swap3A_83], %broadcast_in_dim3A_79 {strides = array<i32>} : memref<64x1024xf32, #tpu.memory_space<vmem>>, vector<16xf32>,
      %broadcast_in_dim3A_85 = arith.constant 0.000000e+00 : f32
      %broadcast_in_dim3A_86 = vector.broadcast %broadcast_in_dim3A_85 : f32 to vector<16xf32>
      %add3A_87 = arith.constant 80 : i32
      %add3A_88 = arith.addi %mul3A_51, %add3A_87 : i32
      %swap3A_89 = arith.index_cast %select_n3A : i32 to index
      %swap3A_90 = arith.index_cast %add3A_88 : i32 to index
      %swap3A_91 = tpu.vector_load %arg5[%swap3A_89, %swap3A_90] {strides = array<i32>} : memref<64x1024xf32, #tpu.memory_space<vmem>>, vector<16xf32>,
      tpu.vector_store %arg5[%swap3A_89, %swap3A_90], %broadcast_in_dim3A_86 {strides = array<i32>} : memref<64x1024xf32, #tpu.memory_space<vmem>>, vector<16xf32>,
      %broadcast_in_dim3A_92 = arith.constant 0.000000e+00 : f32
      %broadcast_in_dim3A_93 = vector.broadcast %broadcast_in_dim3A_92 : f32 to vector<16xf32>
      %add3A_94 = arith.constant 96 : i32
      %add3A_95 = arith.addi %mul3A_51, %add3A_94 : i32
      %swap3A_96 = arith.index_cast %select_n3A : i32 to index
      %swap3A_97 = arith.index_cast %add3A_95 : i32 to index
      %swap3A_98 = tpu.vector_load %arg5[%swap3A_96, %swap3A_97] {strides = array<i32>} : memref<64x1024xf32, #tpu.memory_space<vmem>>, vector<16xf32>,
      tpu.vector_store %arg5[%swap3A_96, %swap3A_97], %broadcast_in_dim3A_93 {strides = array<i32>} : memref<64x1024xf32, #tpu.memory_space<vmem>>, vector<16xf32>,
      %broadcast_in_dim3A_99 = arith.constant 0.000000e+00 : f32
      %broadcast_in_dim3A_100 = vector.broadcast %broadcast_in_dim3A_99 : f32 to vector<16xf32>
      %add3A_101 = arith.constant 112 : i32
      %add3A_102 = arith.addi %mul3A_51, %add3A_101 : i32
      %swap3A_103 = arith.index_cast %select_n3A : i32 to index
      %swap3A_104 = arith.index_cast %add3A_102 : i32 to index
      %swap3A_105 = tpu.vector_load %arg5[%swap3A_103, %swap3A_104] {strides = array<i32>} : memref<64x1024xf32, #tpu.memory_space<vmem>>, vector<16xf32>,
      tpu.vector_store %arg5[%swap3A_103, %swap3A_104], %broadcast_in_dim3A_100 {strides = array<i32>} : memref<64x1024xf32, #tpu.memory_space<vmem>>, vector<16xf32>,
      %scan3A_106 = arith.constant 0 : i32
      scf.yield %scan3A_106 : i32
    }
    %scan3A_6 = arith.constant 512 : i32
    %mul3A_7 = arith.constant 64 : i32
    %mul3A_8 = arith.muli %add3A, %mul3A_7 : i32
    %add3A_9 = arith.constant 0 : i32
    %add3A_10 = arith.addi %mul3A_8, %add3A_9 : i32
    "tpu.region"() ({
      %run_scoped3A = tpu.sem_alloc : memref<!tpu.dma_semaphore, #tpu.memory_space<semaphore_mem>>
      %dma_start3A = arith.constant 0 : i32
      %dma_start3A_18 = arith.constant 0 : i32
      %dma_start3A_19 = tpu.memref_slice %arg6[%dma_start3A, %dma_start3A_18] : memref<64x32xi32, #tpu.memory_space<vmem>> -> memref<64x32xi32, #tpu.memory_space<vmem>>
      %dma_start3A_20 = arith.constant 0 : i32
      %dma_start3A_21 = tpu.memref_slice %arg2[%add3A_10, %dma_start3A_20] : memref<2048x32xi32, #tpu.memory_space<hbm>> -> memref<64x32xi32, #tpu.memory_space<hbm>>
      %dma_start3A_22 = arith.constant 0 : i32
      %dma_start3A_23 = arith.constant 0 : i32
      %dma_start3A_24 = tpu.memref_slice %arg6[%dma_start3A_22, %dma_start3A_23] : memref<64x32xi32, #tpu.memory_space<vmem>> -> memref<64x32xi32, #tpu.memory_space<vmem>>
      %dma_start3A_25 = arith.constant 0 : i32
      %dma_start3A_26 = tpu.memref_slice %arg2[%add3A_10, %dma_start3A_25] : memref<2048x32xi32, #tpu.memory_space<hbm>> -> memref<64x32xi32, #tpu.memory_space<hbm>>
      tpu.enqueue_dma source(%dma_start3A_26 : memref<64x32xi32, #tpu.memory_space<hbm>>) target(%dma_start3A_24 : memref<64x32xi32, #tpu.memory_space<vmem>>) target_semaphore(%run_scoped3A : memref<!tpu.dma_semaphore, #tpu.memory_space<semaphore_mem>>)
      %dma_wait3A = arith.constant 0 : i32
      %dma_wait3A_27 = arith.constant 0 : i32
      %dma_wait3A_28 = tpu.memref_slice %arg6[%dma_wait3A, %dma_wait3A_27] : memref<64x32xi32, #tpu.memory_space<vmem>> -> memref<64x32xi32, #tpu.memory_space<vmem>>
      %dma_wait3A_29 = arith.constant 0 : i32
      %dma_wait3A_30 = tpu.memref_slice %arg2[%add3A_10, %dma_wait3A_29] : memref<2048x32xi32, #tpu.memory_space<hbm>> -> memref<64x32xi32, #tpu.memory_space<hbm>>
      %dma_wait3A_31 = arith.constant 0 : i32
      %dma_wait3A_32 = arith.constant 0 : i32
      %dma_wait3A_33 = tpu.memref_slice %arg6[%dma_wait3A_31, %dma_wait3A_32] : memref<64x32xi32, #tpu.memory_space<vmem>> -> memref<64x32xi32, #tpu.memory_space<vmem>>
      %dma_wait3A_34 = arith.constant 0 : i32
      %dma_wait3A_35 = tpu.memref_slice %arg2[%add3A_10, %dma_wait3A_34] : memref<2048x32xi32, #tpu.memory_space<hbm>> -> memref<64x32xi32, #tpu.memory_space<hbm>>
      tpu.wait_dma2 semaphore(%run_scoped3A : memref<!tpu.dma_semaphore, #tpu.memory_space<semaphore_mem>>) src(%dma_wait3A_35 : memref<64x32xi32, #tpu.memory_space<hbm>>) dst(%dma_wait3A_33 : memref<64x32xi32, #tpu.memory_space<vmem>>)
      tpu.yield
    }) : () -> ()
    "tpu.region"() ({
      %run_scoped3A = tpu.sem_alloc : memref<!tpu.dma_semaphore, #tpu.memory_space<semaphore_mem>>
      %dma_start3A = arith.constant 0 : i32
      %dma_start3A_18 = arith.constant 0 : i32
      %dma_start3A_19 = tpu.memref_slice %arg7[%dma_start3A, %dma_start3A_18] : memref<64x32xf32, #tpu.memory_space<vmem>> -> memref<64x32xf32, #tpu.memory_space<vmem>>
      %dma_start3A_20 = arith.constant 0 : i32
      %dma_start3A_21 = tpu.memref_slice %arg3[%add3A_10, %dma_start3A_20] : memref<2048x32xf32, #tpu.memory_space<hbm>> -> memref<64x32xf32, #tpu.memory_space<hbm>>
      %dma_start3A_22 = arith.constant 0 : i32
      %dma_start3A_23 = arith.constant 0 : i32
      %dma_start3A_24 = tpu.memref_slice %arg7[%dma_start3A_22, %dma_start3A_23] : memref<64x32xf32, #tpu.memory_space<vmem>> -> memref<64x32xf32, #tpu.memory_space<vmem>>
      %dma_start3A_25 = arith.constant 0 : i32
      %dma_start3A_26 = tpu.memref_slice %arg3[%add3A_10, %dma_start3A_25] : memref<2048x32xf32, #tpu.memory_space<hbm>> -> memref<64x32xf32, #tpu.memory_space<hbm>>
      tpu.enqueue_dma source(%dma_start3A_26 : memref<64x32xf32, #tpu.memory_space<hbm>>) target(%dma_start3A_24 : memref<64x32xf32, #tpu.memory_space<vmem>>) target_semaphore(%run_scoped3A : memref<!tpu.dma_semaphore, #tpu.memory_space<semaphore_mem>>)
      %dma_wait3A = arith.constant 0 : i32
      %dma_wait3A_27 = arith.constant 0 : i32
      %dma_wait3A_28 = tpu.memref_slice %arg7[%dma_wait3A, %dma_wait3A_27] : memref<64x32xf32, #tpu.memory_space<vmem>> -> memref<64x32xf32, #tpu.memory_space<vmem>>
      %dma_wait3A_29 = arith.constant 0 : i32
      %dma_wait3A_30 = tpu.memref_slice %arg3[%add3A_10, %dma_wait3A_29] : memref<2048x32xf32, #tpu.memory_space<hbm>> -> memref<64x32xf32, #tpu.memory_space<hbm>>
      %dma_wait3A_31 = arith.constant 0 : i32
      %dma_wait3A_32 = arith.constant 0 : i32
      %dma_wait3A_33 = tpu.memref_slice %arg7[%dma_wait3A_31, %dma_wait3A_32] : memref<64x32xf32, #tpu.memory_space<vmem>> -> memref<64x32xf32, #tpu.memory_space<vmem>>
      %dma_wait3A_34 = arith.constant 0 : i32
      %dma_wait3A_35 = tpu.memref_slice %arg3[%add3A_10, %dma_wait3A_34] : memref<2048x32xf32, #tpu.memory_space<hbm>> -> memref<64x32xf32, #tpu.memory_space<hbm>>
      tpu.wait_dma2 semaphore(%run_scoped3A : memref<!tpu.dma_semaphore, #tpu.memory_space<semaphore_mem>>) src(%dma_wait3A_35 : memref<64x32xf32, #tpu.memory_space<hbm>>) dst(%dma_wait3A_33 : memref<64x32xf32, #tpu.memory_space<vmem>>)
      tpu.yield
    }) : () -> ()
    %scan3A_11 = arith.constant 0 : i32
    %scan3A_12 = arith.constant 0 : i32
    %scan3A_13 = arith.constant 128 : i32
    %scan3A_14 = arith.addi %scan3A_12, %scan3A_13 : i32
    %scan3A_15 = arith.constant 1 : i32
    %scan3A_16 = scf.for %scan3A_18 = %scan3A_12 to %scan3A_14 step %scan3A_15 iter_args(%scan3A_19 = %scan3A_11) -> (i32)  : i32 {
      %jit3A = arith.constant 2 : i32
      %div3A = arith.divsi %scan3A_18, %jit3A : i32
      %sign3A = arith.constant 0 : i32
      %sign3A_20 = arith.cmpi sgt, %scan3A_18, %sign3A : i32
      %sign3A_21 = arith.extui %sign3A_20 : i1 to i32
      %sign3A_22 = arith.constant 0 : i32
      %sign3A_23 = arith.cmpi slt, %scan3A_18, %sign3A_22 : i32
      %sign3A_24 = arith.extui %sign3A_23 : i1 to i32
      %sign3A_25 = arith.subi %sign3A_21, %sign3A_24 : i32
      %sign3A_26 = arith.constant 0 : i32
      %sign3A_27 = arith.cmpi sgt, %jit3A, %sign3A_26 : i32
      %sign3A_28 = arith.extui %sign3A_27 : i1 to i32
      %sign3A_29 = arith.constant 0 : i32
      %sign3A_30 = arith.cmpi slt, %jit3A, %sign3A_29 : i32
      %sign3A_31 = arith.extui %sign3A_30 : i1 to i32
      %sign3A_32 = arith.subi %sign3A_28, %sign3A_31 : i32
      %ne3A = arith.cmpi ne, %sign3A_25, %sign3A_32 : i32
      %rem3A = arith.remsi %scan3A_18, %jit3A : i32
      %ne3A_33 = arith.constant 0 : i32
      %ne3A_34 = arith.cmpi ne, %rem3A, %ne3A_33 : i32
      %and3A = arith.andi %ne3A, %ne3A_34 : i1
      %sub3A = arith.constant 1 : i32
      %sub3A_35 = arith.subi %div3A, %sub3A : i32
      %select_n3A = arith.select %and3A, %sub3A_35, %div3A : i32
      %jit3A_36 = arith.constant 2 : i32
      %eq3A = arith.constant 0 : i32
      %eq3A_37 = arith.cmpi eq, %jit3A_36, %eq3A : i32
      %jit3A_38 = arith.constant 1 : i32
      %select_n3A_39 = arith.select %eq3A_37, %jit3A_38, %jit3A_36 : i32
      %rem3A_40 = arith.remsi %scan3A_18, %select_n3A_39 : i32
      %ne3A_41 = arith.constant 0 : i32
      %ne3A_42 = arith.cmpi ne, %rem3A_40, %ne3A_41 : i32
      %lt3A = arith.constant 0 : i32
      %lt3A_43 = arith.cmpi slt, %rem3A_40, %lt3A : i32
      %lt3A_44 = arith.constant 0 : i32
      %lt3A_45 = arith.cmpi slt, %select_n3A_39, %lt3A_44 : i32
      %ne3A_46 = arith.xori %lt3A_43, %lt3A_45 : i1
      %and3A_47 = arith.andi %ne3A_46, %ne3A_42 : i1
      %add3A_48 = arith.addi %rem3A_40, %select_n3A_39 : i32
      %select_n3A_49 = arith.select %and3A_47, %add3A_48, %rem3A_40 : i32
      %mul3A_50 = arith.constant 16 : i32
      %mul3A_51 = arith.muli %select_n3A_49, %mul3A_50 : i32
      %get3A = arith.index_cast %select_n3A : i32 to index
      %get3A_52 = arith.index_cast %mul3A_51 : i32 to index
      %get3A_53 = tpu.vector_load %arg6[%get3A, %get3A_52] {strides = array<i32>} : memref<64x32xi32, #tpu.memory_space<vmem>>, vector<16xi32>,
      %and3A_54 = arith.constant 7 : i32
      %and3A_55 = vector.broadcast %and3A_54 : i32 to vector<16xi32>
      %and3A_56 = arith.andi %get3A_53, %and3A_55 : vector<16xi32>
      %mul3A_57 = arith.constant 128 : i32
      %mul3A_58 = vector.broadcast %mul3A_57 : i32 to vector<16xi32>
      %mul3A_59 = arith.muli %and3A_56, %mul3A_58 : vector<16xi32>
      %shift_right_arithmetic3A = arith.constant 3 : i32
      %shift_right_arithmetic3A_60 = vector.broadcast %shift_right_arithmetic3A : i32 to vector<16xi32>
      %shift_right_arithmetic3A_61 = arith.shrsi %get3A_53, %shift_right_arithmetic3A_60 : vector<16xi32>
      %add3A_62 = arith.addi %mul3A_59, %shift_right_arithmetic3A_61 : vector<16xi32>
      %jit3A_63 = arith.constant 2 : i32
      %eq3A_64 = arith.constant 0 : i32
      %eq3A_65 = arith.cmpi eq, %jit3A_63, %eq3A_64 : i32
      %jit3A_66 = arith.constant 1 : i32
      %select_n3A_67 = arith.select %eq3A_65, %jit3A_66, %jit3A_63 : i32
      %rem3A_68 = arith.remsi %scan3A_18, %select_n3A_67 : i32
      %ne3A_69 = arith.constant 0 : i32
      %ne3A_70 = arith.cmpi ne, %rem3A_68, %ne3A_69 : i32
      %lt3A_71 = arith.constant 0 : i32
      %lt3A_72 = arith.cmpi slt, %rem3A_68, %lt3A_71 : i32
      %lt3A_73 = arith.constant 0 : i32
      %lt3A_74 = arith.cmpi slt, %select_n3A_67, %lt3A_73 : i32
      %ne3A_75 = arith.xori %lt3A_72, %lt3A_74 : i1
      %and3A_76 = arith.andi %ne3A_75, %ne3A_70 : i1
      %add3A_77 = arith.addi %rem3A_68, %select_n3A_67 : i32
      %select_n3A_78 = arith.select %and3A_76, %add3A_77, %rem3A_68 : i32
      %mul3A_79 = arith.constant 16 : i32
      %mul3A_80 = arith.muli %select_n3A_78, %mul3A_79 : i32
      %get3A_81 = arith.index_cast %select_n3A : i32 to index
      %get3A_82 = arith.index_cast %mul3A_80 : i32 to index
      %get3A_83 = tpu.vector_load %arg7[%get3A_81, %get3A_82] {strides = array<i32>} : memref<64x32xf32, #tpu.memory_space<vmem>>, vector<16xf32>,
      %broadcast_in_dim3A = vector.broadcast %select_n3A : i32 to vector<16xi32>
      %mul3A_84 = arith.constant 1.000000e+00 : f32
      %mul3A_85 = vector.broadcast %mul3A_84 : f32 to vector<16xf32>
      %mul3A_86 = arith.mulf %get3A_83, %mul3A_85 : vector<16xf32>
      tpu.vector_store_idx %arg5[%broadcast_in_dim3A, %add3A_62], %mul3A_86 {add = true} : memref<64x1024xf32, #tpu.memory_space<vmem>>[vector<16xi32>, vector<16xi32>], vector<16xf32>,
      %scan3A_87 = arith.constant 0 : i32
      scf.yield %scan3A_87 : i32
    }
    %scan3A_17 = arith.constant 128 : i32
    "tpu.region"() ({
      %run_scoped3A = tpu.sem_alloc : memref<!tpu.dma_semaphore, #tpu.memory_space<semaphore_mem>>
      %dma_start3A = arith.constant 0 : i32
      %dma_start3A_18 = tpu.memref_slice %arg4[%add3A_10, %dma_start3A] : memref<2048x1024xf32, #tpu.memory_space<hbm>> -> memref<64x1024xf32, #tpu.memory_space<hbm>>
      %dma_start3A_19 = arith.constant 0 : i32
      %dma_start3A_20 = tpu.memref_slice %arg4[%add3A_10, %dma_start3A_19] : memref<2048x1024xf32, #tpu.memory_space<hbm>> -> memref<64x1024xf32, #tpu.memory_space<hbm>>
      tpu.enqueue_dma source(%arg5 : memref<64x1024xf32, #tpu.memory_space<vmem>>) target(%dma_start3A_20 : memref<64x1024xf32, #tpu.memory_space<hbm>>) target_semaphore(%run_scoped3A : memref<!tpu.dma_semaphore, #tpu.memory_space<semaphore_mem>>)
      %dma_wait3A = arith.constant 0 : i32
      %dma_wait3A_21 = tpu.memref_slice %arg4[%add3A_10, %dma_wait3A] : memref<2048x1024xf32, #tpu.memory_space<hbm>> -> memref<64x1024xf32, #tpu.memory_space<hbm>>
      %dma_wait3A_22 = arith.constant 0 : i32
      %dma_wait3A_23 = tpu.memref_slice %arg4[%add3A_10, %dma_wait3A_22] : memref<2048x1024xf32, #tpu.memory_space<hbm>> -> memref<64x1024xf32, #tpu.memory_space<hbm>>
      tpu.wait_dma2 semaphore(%run_scoped3A : memref<!tpu.dma_semaphore, #tpu.memory_space<semaphore_mem>>) src(%arg5 : memref<64x1024xf32, #tpu.memory_space<vmem>>) dst(%dma_wait3A_23 : memref<64x1024xf32, #tpu.memory_space<hbm>>)
      tpu.yield
    }) : () -> ()
    return
  }
}

#map = affine_map<(d0, d1) -> (0, 0)>
module attributes {stable_mosaic.version = 14 : i64} {
  func.func @_sc_build_body(%arg0: i32, %arg1: i32, %arg2: memref<2048x32xi32, #tpu.memory_space<hbm>>, %arg3: memref<2048x32xf32, #tpu.memory_space<hbm>>, %arg4: memref<2048x2048xf32, #tpu.memory_space<hbm>>, %arg5: memref<32x2048xf32, #tpu.memory_space<vmem>>, %arg6: memref<64x32xi32, #tpu.memory_space<vmem>>, %arg7: memref<64x32xf32, #tpu.memory_space<vmem>>) attributes {dimension_semantics = [#tpu.dimension_semantics<core_parallel>, #tpu.dimension_semantics<subcore_parallel>], iteration_bounds = array<i64: 2, 16>, scalar_prefetch = 0 : i64, scratch_operands = 3 : i64, tpu.core_type = #tpu.core_type<sc_vector_subcore>, window_params = [{transform_indices = #map}, {transform_indices = #map}, {transform_indices = #map}]} {
    %mul3A = arith.constant 2 : i32
    %mul3A_0 = arith.muli %arg1, %mul3A : i32
    %add3A = arith.addi %mul3A_0, %arg0 : i32
    %scan3A = arith.constant 0 : i32
    %scan3A_1 = arith.constant 0 : i32
    %scan3A_2 = arith.constant 512 : i32
    %scan3A_3 = arith.addi %scan3A_1, %scan3A_2 : i32
    %scan3A_4 = arith.constant 1 : i32
    %scan3A_5 = scf.for %scan3A_36 = %scan3A_1 to %scan3A_3 step %scan3A_4 iter_args(%scan3A_37 = %scan3A) -> (i32)  : i32 {
      %jit3A = arith.constant 16 : i32
      %div3A = arith.divsi %scan3A_36, %jit3A : i32
      %sign3A = arith.constant 0 : i32
      %sign3A_38 = arith.cmpi sgt, %scan3A_36, %sign3A : i32
      %sign3A_39 = arith.extui %sign3A_38 : i1 to i32
      %sign3A_40 = arith.constant 0 : i32
      %sign3A_41 = arith.cmpi slt, %scan3A_36, %sign3A_40 : i32
      %sign3A_42 = arith.extui %sign3A_41 : i1 to i32
      %sign3A_43 = arith.subi %sign3A_39, %sign3A_42 : i32
      %sign3A_44 = arith.constant 0 : i32
      %sign3A_45 = arith.cmpi sgt, %jit3A, %sign3A_44 : i32
      %sign3A_46 = arith.extui %sign3A_45 : i1 to i32
      %sign3A_47 = arith.constant 0 : i32
      %sign3A_48 = arith.cmpi slt, %jit3A, %sign3A_47 : i32
      %sign3A_49 = arith.extui %sign3A_48 : i1 to i32
      %sign3A_50 = arith.subi %sign3A_46, %sign3A_49 : i32
      %ne3A = arith.cmpi ne, %sign3A_43, %sign3A_50 : i32
      %rem3A = arith.remsi %scan3A_36, %jit3A : i32
      %ne3A_51 = arith.constant 0 : i32
      %ne3A_52 = arith.cmpi ne, %rem3A, %ne3A_51 : i32
      %and3A = arith.andi %ne3A, %ne3A_52 : i1
      %sub3A = arith.constant 1 : i32
      %sub3A_53 = arith.subi %div3A, %sub3A : i32
      %select_n3A = arith.select %and3A, %sub3A_53, %div3A : i32
      %jit3A_54 = arith.constant 16 : i32
      %eq3A = arith.constant 0 : i32
      %eq3A_55 = arith.cmpi eq, %jit3A_54, %eq3A : i32
      %jit3A_56 = arith.constant 1 : i32
      %select_n3A_57 = arith.select %eq3A_55, %jit3A_56, %jit3A_54 : i32
      %rem3A_58 = arith.remsi %scan3A_36, %select_n3A_57 : i32
      %ne3A_59 = arith.constant 0 : i32
      %ne3A_60 = arith.cmpi ne, %rem3A_58, %ne3A_59 : i32
      %lt3A = arith.constant 0 : i32
      %lt3A_61 = arith.cmpi slt, %rem3A_58, %lt3A : i32
      %lt3A_62 = arith.constant 0 : i32
      %lt3A_63 = arith.cmpi slt, %select_n3A_57, %lt3A_62 : i32
      %ne3A_64 = arith.xori %lt3A_61, %lt3A_63 : i1
      %and3A_65 = arith.andi %ne3A_64, %ne3A_60 : i1
      %add3A_66 = arith.addi %rem3A_58, %select_n3A_57 : i32
      %select_n3A_67 = arith.select %and3A_65, %add3A_66, %rem3A_58 : i32
      %mul3A_68 = arith.constant 128 : i32
      %mul3A_69 = arith.muli %select_n3A_67, %mul3A_68 : i32
      %broadcast_in_dim3A = arith.constant 0.000000e+00 : f32
      %broadcast_in_dim3A_70 = vector.broadcast %broadcast_in_dim3A : f32 to vector<16xf32>
      %add3A_71 = arith.constant 0 : i32
      %add3A_72 = arith.addi %mul3A_69, %add3A_71 : i32
      %swap3A = arith.index_cast %select_n3A : i32 to index
      %swap3A_73 = arith.index_cast %add3A_72 : i32 to index
      %swap3A_74 = tpu.vector_load %arg5[%swap3A, %swap3A_73] {strides = array<i32>} : memref<32x2048xf32, #tpu.memory_space<vmem>>, vector<16xf32>,
      tpu.vector_store %arg5[%swap3A, %swap3A_73], %broadcast_in_dim3A_70 {strides = array<i32>} : memref<32x2048xf32, #tpu.memory_space<vmem>>, vector<16xf32>,
      %broadcast_in_dim3A_75 = arith.constant 0.000000e+00 : f32
      %broadcast_in_dim3A_76 = vector.broadcast %broadcast_in_dim3A_75 : f32 to vector<16xf32>
      %add3A_77 = arith.constant 16 : i32
      %add3A_78 = arith.addi %mul3A_69, %add3A_77 : i32
      %swap3A_79 = arith.index_cast %select_n3A : i32 to index
      %swap3A_80 = arith.index_cast %add3A_78 : i32 to index
      %swap3A_81 = tpu.vector_load %arg5[%swap3A_79, %swap3A_80] {strides = array<i32>} : memref<32x2048xf32, #tpu.memory_space<vmem>>, vector<16xf32>,
      tpu.vector_store %arg5[%swap3A_79, %swap3A_80], %broadcast_in_dim3A_76 {strides = array<i32>} : memref<32x2048xf32, #tpu.memory_space<vmem>>, vector<16xf32>,
      %broadcast_in_dim3A_82 = arith.constant 0.000000e+00 : f32
      %broadcast_in_dim3A_83 = vector.broadcast %broadcast_in_dim3A_82 : f32 to vector<16xf32>
      %add3A_84 = arith.constant 32 : i32
      %add3A_85 = arith.addi %mul3A_69, %add3A_84 : i32
      %swap3A_86 = arith.index_cast %select_n3A : i32 to index
      %swap3A_87 = arith.index_cast %add3A_85 : i32 to index
      %swap3A_88 = tpu.vector_load %arg5[%swap3A_86, %swap3A_87] {strides = array<i32>} : memref<32x2048xf32, #tpu.memory_space<vmem>>, vector<16xf32>,
      tpu.vector_store %arg5[%swap3A_86, %swap3A_87], %broadcast_in_dim3A_83 {strides = array<i32>} : memref<32x2048xf32, #tpu.memory_space<vmem>>, vector<16xf32>,
      %broadcast_in_dim3A_89 = arith.constant 0.000000e+00 : f32
      %broadcast_in_dim3A_90 = vector.broadcast %broadcast_in_dim3A_89 : f32 to vector<16xf32>
      %add3A_91 = arith.constant 48 : i32
      %add3A_92 = arith.addi %mul3A_69, %add3A_91 : i32
      %swap3A_93 = arith.index_cast %select_n3A : i32 to index
      %swap3A_94 = arith.index_cast %add3A_92 : i32 to index
      %swap3A_95 = tpu.vector_load %arg5[%swap3A_93, %swap3A_94] {strides = array<i32>} : memref<32x2048xf32, #tpu.memory_space<vmem>>, vector<16xf32>,
      tpu.vector_store %arg5[%swap3A_93, %swap3A_94], %broadcast_in_dim3A_90 {strides = array<i32>} : memref<32x2048xf32, #tpu.memory_space<vmem>>, vector<16xf32>,
      %broadcast_in_dim3A_96 = arith.constant 0.000000e+00 : f32
      %broadcast_in_dim3A_97 = vector.broadcast %broadcast_in_dim3A_96 : f32 to vector<16xf32>
      %add3A_98 = arith.constant 64 : i32
      %add3A_99 = arith.addi %mul3A_69, %add3A_98 : i32
      %swap3A_100 = arith.index_cast %select_n3A : i32 to index
      %swap3A_101 = arith.index_cast %add3A_99 : i32 to index
      %swap3A_102 = tpu.vector_load %arg5[%swap3A_100, %swap3A_101] {strides = array<i32>} : memref<32x2048xf32, #tpu.memory_space<vmem>>, vector<16xf32>,
      tpu.vector_store %arg5[%swap3A_100, %swap3A_101], %broadcast_in_dim3A_97 {strides = array<i32>} : memref<32x2048xf32, #tpu.memory_space<vmem>>, vector<16xf32>,
      %broadcast_in_dim3A_103 = arith.constant 0.000000e+00 : f32
      %broadcast_in_dim3A_104 = vector.broadcast %broadcast_in_dim3A_103 : f32 to vector<16xf32>
      %add3A_105 = arith.constant 80 : i32
      %add3A_106 = arith.addi %mul3A_69, %add3A_105 : i32
      %swap3A_107 = arith.index_cast %select_n3A : i32 to index
      %swap3A_108 = arith.index_cast %add3A_106 : i32 to index
      %swap3A_109 = tpu.vector_load %arg5[%swap3A_107, %swap3A_108] {strides = array<i32>} : memref<32x2048xf32, #tpu.memory_space<vmem>>, vector<16xf32>,
      tpu.vector_store %arg5[%swap3A_107, %swap3A_108], %broadcast_in_dim3A_104 {strides = array<i32>} : memref<32x2048xf32, #tpu.memory_space<vmem>>, vector<16xf32>,
      %broadcast_in_dim3A_110 = arith.constant 0.000000e+00 : f32
      %broadcast_in_dim3A_111 = vector.broadcast %broadcast_in_dim3A_110 : f32 to vector<16xf32>
      %add3A_112 = arith.constant 96 : i32
      %add3A_113 = arith.addi %mul3A_69, %add3A_112 : i32
      %swap3A_114 = arith.index_cast %select_n3A : i32 to index
      %swap3A_115 = arith.index_cast %add3A_113 : i32 to index
      %swap3A_116 = tpu.vector_load %arg5[%swap3A_114, %swap3A_115] {strides = array<i32>} : memref<32x2048xf32, #tpu.memory_space<vmem>>, vector<16xf32>,
      tpu.vector_store %arg5[%swap3A_114, %swap3A_115], %broadcast_in_dim3A_111 {strides = array<i32>} : memref<32x2048xf32, #tpu.memory_space<vmem>>, vector<16xf32>,
      %broadcast_in_dim3A_117 = arith.constant 0.000000e+00 : f32
      %broadcast_in_dim3A_118 = vector.broadcast %broadcast_in_dim3A_117 : f32 to vector<16xf32>
      %add3A_119 = arith.constant 112 : i32
      %add3A_120 = arith.addi %mul3A_69, %add3A_119 : i32
      %swap3A_121 = arith.index_cast %select_n3A : i32 to index
      %swap3A_122 = arith.index_cast %add3A_120 : i32 to index
      %swap3A_123 = tpu.vector_load %arg5[%swap3A_121, %swap3A_122] {strides = array<i32>} : memref<32x2048xf32, #tpu.memory_space<vmem>>, vector<16xf32>,
      tpu.vector_store %arg5[%swap3A_121, %swap3A_122], %broadcast_in_dim3A_118 {strides = array<i32>} : memref<32x2048xf32, #tpu.memory_space<vmem>>, vector<16xf32>,
      %scan3A_124 = arith.constant 0 : i32
      scf.yield %scan3A_124 : i32
    }
    %scan3A_6 = arith.constant 512 : i32
    %mul3A_7 = arith.constant 64 : i32
    %mul3A_8 = arith.muli %add3A, %mul3A_7 : i32
    %add3A_9 = arith.constant 0 : i32
    %add3A_10 = arith.addi %mul3A_8, %add3A_9 : i32
    "tpu.region"() ({
      %run_scoped3A = tpu.sem_alloc : memref<!tpu.dma_semaphore, #tpu.memory_space<semaphore_mem>>
      %dma_start3A = arith.constant 0 : i32
      %dma_start3A_36 = arith.constant 0 : i32
      %dma_start3A_37 = tpu.memref_slice %arg6[%dma_start3A, %dma_start3A_36] : memref<64x32xi32, #tpu.memory_space<vmem>> -> memref<32x32xi32, #tpu.memory_space<vmem>>
      %dma_start3A_38 = arith.constant 0 : i32
      %dma_start3A_39 = tpu.memref_slice %arg2[%add3A_10, %dma_start3A_38] : memref<2048x32xi32, #tpu.memory_space<hbm>> -> memref<32x32xi32, #tpu.memory_space<hbm>>
      %dma_start3A_40 = arith.constant 0 : i32
      %dma_start3A_41 = arith.constant 0 : i32
      %dma_start3A_42 = tpu.memref_slice %arg6[%dma_start3A_40, %dma_start3A_41] : memref<64x32xi32, #tpu.memory_space<vmem>> -> memref<32x32xi32, #tpu.memory_space<vmem>>
      %dma_start3A_43 = arith.constant 0 : i32
      %dma_start3A_44 = tpu.memref_slice %arg2[%add3A_10, %dma_start3A_43] : memref<2048x32xi32, #tpu.memory_space<hbm>> -> memref<32x32xi32, #tpu.memory_space<hbm>>
      tpu.enqueue_dma source(%dma_start3A_44 : memref<32x32xi32, #tpu.memory_space<hbm>>) target(%dma_start3A_42 : memref<32x32xi32, #tpu.memory_space<vmem>>) target_semaphore(%run_scoped3A : memref<!tpu.dma_semaphore, #tpu.memory_space<semaphore_mem>>)
      %dma_wait3A = arith.constant 0 : i32
      %dma_wait3A_45 = arith.constant 0 : i32
      %dma_wait3A_46 = tpu.memref_slice %arg6[%dma_wait3A, %dma_wait3A_45] : memref<64x32xi32, #tpu.memory_space<vmem>> -> memref<32x32xi32, #tpu.memory_space<vmem>>
      %dma_wait3A_47 = arith.constant 0 : i32
      %dma_wait3A_48 = tpu.memref_slice %arg2[%add3A_10, %dma_wait3A_47] : memref<2048x32xi32, #tpu.memory_space<hbm>> -> memref<32x32xi32, #tpu.memory_space<hbm>>
      %dma_wait3A_49 = arith.constant 0 : i32
      %dma_wait3A_50 = arith.constant 0 : i32
      %dma_wait3A_51 = tpu.memref_slice %arg6[%dma_wait3A_49, %dma_wait3A_50] : memref<64x32xi32, #tpu.memory_space<vmem>> -> memref<32x32xi32, #tpu.memory_space<vmem>>
      %dma_wait3A_52 = arith.constant 0 : i32
      %dma_wait3A_53 = tpu.memref_slice %arg2[%add3A_10, %dma_wait3A_52] : memref<2048x32xi32, #tpu.memory_space<hbm>> -> memref<32x32xi32, #tpu.memory_space<hbm>>
      tpu.wait_dma2 semaphore(%run_scoped3A : memref<!tpu.dma_semaphore, #tpu.memory_space<semaphore_mem>>) src(%dma_wait3A_53 : memref<32x32xi32, #tpu.memory_space<hbm>>) dst(%dma_wait3A_51 : memref<32x32xi32, #tpu.memory_space<vmem>>)
      tpu.yield
    }) : () -> ()
    "tpu.region"() ({
      %run_scoped3A = tpu.sem_alloc : memref<!tpu.dma_semaphore, #tpu.memory_space<semaphore_mem>>
      %dma_start3A = arith.constant 0 : i32
      %dma_start3A_36 = arith.constant 0 : i32
      %dma_start3A_37 = tpu.memref_slice %arg7[%dma_start3A, %dma_start3A_36] : memref<64x32xf32, #tpu.memory_space<vmem>> -> memref<32x32xf32, #tpu.memory_space<vmem>>
      %dma_start3A_38 = arith.constant 0 : i32
      %dma_start3A_39 = tpu.memref_slice %arg3[%add3A_10, %dma_start3A_38] : memref<2048x32xf32, #tpu.memory_space<hbm>> -> memref<32x32xf32, #tpu.memory_space<hbm>>
      %dma_start3A_40 = arith.constant 0 : i32
      %dma_start3A_41 = arith.constant 0 : i32
      %dma_start3A_42 = tpu.memref_slice %arg7[%dma_start3A_40, %dma_start3A_41] : memref<64x32xf32, #tpu.memory_space<vmem>> -> memref<32x32xf32, #tpu.memory_space<vmem>>
      %dma_start3A_43 = arith.constant 0 : i32
      %dma_start3A_44 = tpu.memref_slice %arg3[%add3A_10, %dma_start3A_43] : memref<2048x32xf32, #tpu.memory_space<hbm>> -> memref<32x32xf32, #tpu.memory_space<hbm>>
      tpu.enqueue_dma source(%dma_start3A_44 : memref<32x32xf32, #tpu.memory_space<hbm>>) target(%dma_start3A_42 : memref<32x32xf32, #tpu.memory_space<vmem>>) target_semaphore(%run_scoped3A : memref<!tpu.dma_semaphore, #tpu.memory_space<semaphore_mem>>)
      %dma_wait3A = arith.constant 0 : i32
      %dma_wait3A_45 = arith.constant 0 : i32
      %dma_wait3A_46 = tpu.memref_slice %arg7[%dma_wait3A, %dma_wait3A_45] : memref<64x32xf32, #tpu.memory_space<vmem>> -> memref<32x32xf32, #tpu.memory_space<vmem>>
      %dma_wait3A_47 = arith.constant 0 : i32
      %dma_wait3A_48 = tpu.memref_slice %arg3[%add3A_10, %dma_wait3A_47] : memref<2048x32xf32, #tpu.memory_space<hbm>> -> memref<32x32xf32, #tpu.memory_space<hbm>>
      %dma_wait3A_49 = arith.constant 0 : i32
      %dma_wait3A_50 = arith.constant 0 : i32
      %dma_wait3A_51 = tpu.memref_slice %arg7[%dma_wait3A_49, %dma_wait3A_50] : memref<64x32xf32, #tpu.memory_space<vmem>> -> memref<32x32xf32, #tpu.memory_space<vmem>>
      %dma_wait3A_52 = arith.constant 0 : i32
      %dma_wait3A_53 = tpu.memref_slice %arg3[%add3A_10, %dma_wait3A_52] : memref<2048x32xf32, #tpu.memory_space<hbm>> -> memref<32x32xf32, #tpu.memory_space<hbm>>
      tpu.wait_dma2 semaphore(%run_scoped3A : memref<!tpu.dma_semaphore, #tpu.memory_space<semaphore_mem>>) src(%dma_wait3A_53 : memref<32x32xf32, #tpu.memory_space<hbm>>) dst(%dma_wait3A_51 : memref<32x32xf32, #tpu.memory_space<vmem>>)
      tpu.yield
    }) : () -> ()
    %scan3A_11 = arith.constant 0 : i32
    %scan3A_12 = arith.constant 0 : i32
    %scan3A_13 = arith.constant 64 : i32
    %scan3A_14 = arith.addi %scan3A_12, %scan3A_13 : i32
    %scan3A_15 = arith.constant 1 : i32
    %scan3A_16 = scf.for %scan3A_36 = %scan3A_12 to %scan3A_14 step %scan3A_15 iter_args(%scan3A_37 = %scan3A_11) -> (i32)  : i32 {
      %jit3A = arith.constant 2 : i32
      %div3A = arith.divsi %scan3A_36, %jit3A : i32
      %sign3A = arith.constant 0 : i32
      %sign3A_38 = arith.cmpi sgt, %scan3A_36, %sign3A : i32
      %sign3A_39 = arith.extui %sign3A_38 : i1 to i32
      %sign3A_40 = arith.constant 0 : i32
      %sign3A_41 = arith.cmpi slt, %scan3A_36, %sign3A_40 : i32
      %sign3A_42 = arith.extui %sign3A_41 : i1 to i32
      %sign3A_43 = arith.subi %sign3A_39, %sign3A_42 : i32
      %sign3A_44 = arith.constant 0 : i32
      %sign3A_45 = arith.cmpi sgt, %jit3A, %sign3A_44 : i32
      %sign3A_46 = arith.extui %sign3A_45 : i1 to i32
      %sign3A_47 = arith.constant 0 : i32
      %sign3A_48 = arith.cmpi slt, %jit3A, %sign3A_47 : i32
      %sign3A_49 = arith.extui %sign3A_48 : i1 to i32
      %sign3A_50 = arith.subi %sign3A_46, %sign3A_49 : i32
      %ne3A = arith.cmpi ne, %sign3A_43, %sign3A_50 : i32
      %rem3A = arith.remsi %scan3A_36, %jit3A : i32
      %ne3A_51 = arith.constant 0 : i32
      %ne3A_52 = arith.cmpi ne, %rem3A, %ne3A_51 : i32
      %and3A = arith.andi %ne3A, %ne3A_52 : i1
      %sub3A = arith.constant 1 : i32
      %sub3A_53 = arith.subi %div3A, %sub3A : i32
      %select_n3A = arith.select %and3A, %sub3A_53, %div3A : i32
      %jit3A_54 = arith.constant 2 : i32
      %eq3A = arith.constant 0 : i32
      %eq3A_55 = arith.cmpi eq, %jit3A_54, %eq3A : i32
      %jit3A_56 = arith.constant 1 : i32
      %select_n3A_57 = arith.select %eq3A_55, %jit3A_56, %jit3A_54 : i32
      %rem3A_58 = arith.remsi %scan3A_36, %select_n3A_57 : i32
      %ne3A_59 = arith.constant 0 : i32
      %ne3A_60 = arith.cmpi ne, %rem3A_58, %ne3A_59 : i32
      %lt3A = arith.constant 0 : i32
      %lt3A_61 = arith.cmpi slt, %rem3A_58, %lt3A : i32
      %lt3A_62 = arith.constant 0 : i32
      %lt3A_63 = arith.cmpi slt, %select_n3A_57, %lt3A_62 : i32
      %ne3A_64 = arith.xori %lt3A_61, %lt3A_63 : i1
      %and3A_65 = arith.andi %ne3A_64, %ne3A_60 : i1
      %add3A_66 = arith.addi %rem3A_58, %select_n3A_57 : i32
      %select_n3A_67 = arith.select %and3A_65, %add3A_66, %rem3A_58 : i32
      %mul3A_68 = arith.constant 16 : i32
      %mul3A_69 = arith.muli %select_n3A_67, %mul3A_68 : i32
      %get3A = arith.index_cast %select_n3A : i32 to index
      %get3A_70 = arith.index_cast %mul3A_69 : i32 to index
      %get3A_71 = tpu.vector_load %arg6[%get3A, %get3A_70] {strides = array<i32>} : memref<64x32xi32, #tpu.memory_space<vmem>>, vector<16xi32>,
      %jit3A_72 = arith.constant 2 : i32
      %eq3A_73 = arith.constant 0 : i32
      %eq3A_74 = arith.cmpi eq, %jit3A_72, %eq3A_73 : i32
      %jit3A_75 = arith.constant 1 : i32
      %select_n3A_76 = arith.select %eq3A_74, %jit3A_75, %jit3A_72 : i32
      %rem3A_77 = arith.remsi %scan3A_36, %select_n3A_76 : i32
      %ne3A_78 = arith.constant 0 : i32
      %ne3A_79 = arith.cmpi ne, %rem3A_77, %ne3A_78 : i32
      %lt3A_80 = arith.constant 0 : i32
      %lt3A_81 = arith.cmpi slt, %rem3A_77, %lt3A_80 : i32
      %lt3A_82 = arith.constant 0 : i32
      %lt3A_83 = arith.cmpi slt, %select_n3A_76, %lt3A_82 : i32
      %ne3A_84 = arith.xori %lt3A_81, %lt3A_83 : i1
      %and3A_85 = arith.andi %ne3A_84, %ne3A_79 : i1
      %add3A_86 = arith.addi %rem3A_77, %select_n3A_76 : i32
      %select_n3A_87 = arith.select %and3A_85, %add3A_86, %rem3A_77 : i32
      %mul3A_88 = arith.constant 16 : i32
      %mul3A_89 = arith.muli %select_n3A_87, %mul3A_88 : i32
      %get3A_90 = arith.index_cast %select_n3A : i32 to index
      %get3A_91 = arith.index_cast %mul3A_89 : i32 to index
      %get3A_92 = tpu.vector_load %arg7[%get3A_90, %get3A_91] {strides = array<i32>} : memref<64x32xf32, #tpu.memory_space<vmem>>, vector<16xf32>,
      %broadcast_in_dim3A = vector.broadcast %select_n3A : i32 to vector<16xi32>
      %mul3A_93 = arith.constant 1.000000e+00 : f32
      %mul3A_94 = vector.broadcast %mul3A_93 : f32 to vector<16xf32>
      %mul3A_95 = arith.mulf %get3A_92, %mul3A_94 : vector<16xf32>
      tpu.vector_store_idx %arg5[%broadcast_in_dim3A, %get3A_71], %mul3A_95 {add = true} : memref<32x2048xf32, #tpu.memory_space<vmem>>[vector<16xi32>, vector<16xi32>], vector<16xf32>,
      %scan3A_96 = arith.constant 0 : i32
      scf.yield %scan3A_96 : i32
    }
    %scan3A_17 = arith.constant 64 : i32
    "tpu.region"() ({
      %run_scoped3A = tpu.sem_alloc : memref<!tpu.dma_semaphore, #tpu.memory_space<semaphore_mem>>
      %dma_start3A = arith.constant 0 : i32
      %dma_start3A_36 = tpu.memref_slice %arg4[%add3A_10, %dma_start3A] : memref<2048x2048xf32, #tpu.memory_space<hbm>> -> memref<32x2048xf32, #tpu.memory_space<hbm>>
      %dma_start3A_37 = arith.constant 0 : i32
      %dma_start3A_38 = tpu.memref_slice %arg4[%add3A_10, %dma_start3A_37] : memref<2048x2048xf32, #tpu.memory_space<hbm>> -> memref<32x2048xf32, #tpu.memory_space<hbm>>
      tpu.enqueue_dma source(%arg5 : memref<32x2048xf32, #tpu.memory_space<vmem>>) target(%dma_start3A_38 : memref<32x2048xf32, #tpu.memory_space<hbm>>) target_semaphore(%run_scoped3A : memref<!tpu.dma_semaphore, #tpu.memory_space<semaphore_mem>>)
      %dma_wait3A = arith.constant 0 : i32
      %dma_wait3A_39 = tpu.memref_slice %arg4[%add3A_10, %dma_wait3A] : memref<2048x2048xf32, #tpu.memory_space<hbm>> -> memref<32x2048xf32, #tpu.memory_space<hbm>>
      %dma_wait3A_40 = arith.constant 0 : i32
      %dma_wait3A_41 = tpu.memref_slice %arg4[%add3A_10, %dma_wait3A_40] : memref<2048x2048xf32, #tpu.memory_space<hbm>> -> memref<32x2048xf32, #tpu.memory_space<hbm>>
      tpu.wait_dma2 semaphore(%run_scoped3A : memref<!tpu.dma_semaphore, #tpu.memory_space<semaphore_mem>>) src(%arg5 : memref<32x2048xf32, #tpu.memory_space<vmem>>) dst(%dma_wait3A_41 : memref<32x2048xf32, #tpu.memory_space<hbm>>)
      tpu.yield
    }) : () -> ()
    %scan3A_18 = arith.constant 0 : i32
    %scan3A_19 = arith.constant 0 : i32
    %scan3A_20 = arith.constant 64 : i32
    %scan3A_21 = arith.addi %scan3A_19, %scan3A_20 : i32
    %scan3A_22 = arith.constant 1 : i32
    %scan3A_23 = scf.for %scan3A_36 = %scan3A_19 to %scan3A_21 step %scan3A_22 iter_args(%scan3A_37 = %scan3A_18) -> (i32)  : i32 {
      %jit3A = arith.constant 2 : i32
      %div3A = arith.divsi %scan3A_36, %jit3A : i32
      %sign3A = arith.constant 0 : i32
      %sign3A_38 = arith.cmpi sgt, %scan3A_36, %sign3A : i32
      %sign3A_39 = arith.extui %sign3A_38 : i1 to i32
      %sign3A_40 = arith.constant 0 : i32
      %sign3A_41 = arith.cmpi slt, %scan3A_36, %sign3A_40 : i32
      %sign3A_42 = arith.extui %sign3A_41 : i1 to i32
      %sign3A_43 = arith.subi %sign3A_39, %sign3A_42 : i32
      %sign3A_44 = arith.constant 0 : i32
      %sign3A_45 = arith.cmpi sgt, %jit3A, %sign3A_44 : i32
      %sign3A_46 = arith.extui %sign3A_45 : i1 to i32
      %sign3A_47 = arith.constant 0 : i32
      %sign3A_48 = arith.cmpi slt, %jit3A, %sign3A_47 : i32
      %sign3A_49 = arith.extui %sign3A_48 : i1 to i32
      %sign3A_50 = arith.subi %sign3A_46, %sign3A_49 : i32
      %ne3A = arith.cmpi ne, %sign3A_43, %sign3A_50 : i32
      %rem3A = arith.remsi %scan3A_36, %jit3A : i32
      %ne3A_51 = arith.constant 0 : i32
      %ne3A_52 = arith.cmpi ne, %rem3A, %ne3A_51 : i32
      %and3A = arith.andi %ne3A, %ne3A_52 : i1
      %sub3A = arith.constant 1 : i32
      %sub3A_53 = arith.subi %div3A, %sub3A : i32
      %select_n3A = arith.select %and3A, %sub3A_53, %div3A : i32
      %jit3A_54 = arith.constant 2 : i32
      %eq3A = arith.constant 0 : i32
      %eq3A_55 = arith.cmpi eq, %jit3A_54, %eq3A : i32
      %jit3A_56 = arith.constant 1 : i32
      %select_n3A_57 = arith.select %eq3A_55, %jit3A_56, %jit3A_54 : i32
      %rem3A_58 = arith.remsi %scan3A_36, %select_n3A_57 : i32
      %ne3A_59 = arith.constant 0 : i32
      %ne3A_60 = arith.cmpi ne, %rem3A_58, %ne3A_59 : i32
      %lt3A = arith.constant 0 : i32
      %lt3A_61 = arith.cmpi slt, %rem3A_58, %lt3A : i32
      %lt3A_62 = arith.constant 0 : i32
      %lt3A_63 = arith.cmpi slt, %select_n3A_57, %lt3A_62 : i32
      %ne3A_64 = arith.xori %lt3A_61, %lt3A_63 : i1
      %and3A_65 = arith.andi %ne3A_64, %ne3A_60 : i1
      %add3A_66 = arith.addi %rem3A_58, %select_n3A_57 : i32
      %select_n3A_67 = arith.select %and3A_65, %add3A_66, %rem3A_58 : i32
      %mul3A_68 = arith.constant 16 : i32
      %mul3A_69 = arith.muli %select_n3A_67, %mul3A_68 : i32
      %get3A = arith.index_cast %select_n3A : i32 to index
      %get3A_70 = arith.index_cast %mul3A_69 : i32 to index
      %get3A_71 = tpu.vector_load %arg6[%get3A, %get3A_70] {strides = array<i32>} : memref<64x32xi32, #tpu.memory_space<vmem>>, vector<16xi32>,
      %jit3A_72 = arith.constant 2 : i32
      %eq3A_73 = arith.constant 0 : i32
      %eq3A_74 = arith.cmpi eq, %jit3A_72, %eq3A_73 : i32
      %jit3A_75 = arith.constant 1 : i32
      %select_n3A_76 = arith.select %eq3A_74, %jit3A_75, %jit3A_72 : i32
      %rem3A_77 = arith.remsi %scan3A_36, %select_n3A_76 : i32
      %ne3A_78 = arith.constant 0 : i32
      %ne3A_79 = arith.cmpi ne, %rem3A_77, %ne3A_78 : i32
      %lt3A_80 = arith.constant 0 : i32
      %lt3A_81 = arith.cmpi slt, %rem3A_77, %lt3A_80 : i32
      %lt3A_82 = arith.constant 0 : i32
      %lt3A_83 = arith.cmpi slt, %select_n3A_76, %lt3A_82 : i32
      %ne3A_84 = arith.xori %lt3A_81, %lt3A_83 : i1
      %and3A_85 = arith.andi %ne3A_84, %ne3A_79 : i1
      %add3A_86 = arith.addi %rem3A_77, %select_n3A_76 : i32
      %select_n3A_87 = arith.select %and3A_85, %add3A_86, %rem3A_77 : i32
      %mul3A_88 = arith.constant 16 : i32
      %mul3A_89 = arith.muli %select_n3A_87, %mul3A_88 : i32
      %get3A_90 = arith.index_cast %select_n3A : i32 to index
      %get3A_91 = arith.index_cast %mul3A_89 : i32 to index
      %get3A_92 = tpu.vector_load %arg7[%get3A_90, %get3A_91] {strides = array<i32>} : memref<64x32xf32, #tpu.memory_space<vmem>>, vector<16xf32>,
      %broadcast_in_dim3A = vector.broadcast %select_n3A : i32 to vector<16xi32>
      %mul3A_93 = arith.constant -1.000000e+00 : f32
      %mul3A_94 = vector.broadcast %mul3A_93 : f32 to vector<16xf32>
      %mul3A_95 = arith.mulf %get3A_92, %mul3A_94 : vector<16xf32>
      tpu.vector_store_idx %arg5[%broadcast_in_dim3A, %get3A_71], %mul3A_95 {add = true} : memref<32x2048xf32, #tpu.memory_space<vmem>>[vector<16xi32>, vector<16xi32>], vector<16xf32>,
      %scan3A_96 = arith.constant 0 : i32
      scf.yield %scan3A_96 : i32
    }
    %scan3A_24 = arith.constant 64 : i32
    %mul3A_25 = arith.constant 64 : i32
    %mul3A_26 = arith.muli %add3A, %mul3A_25 : i32
    %add3A_27 = arith.constant 32 : i32
    %add3A_28 = arith.addi %mul3A_26, %add3A_27 : i32
    "tpu.region"() ({
      %run_scoped3A = tpu.sem_alloc : memref<!tpu.dma_semaphore, #tpu.memory_space<semaphore_mem>>
      %dma_start3A = arith.constant 0 : i32
      %dma_start3A_36 = arith.constant 0 : i32
      %dma_start3A_37 = tpu.memref_slice %arg6[%dma_start3A, %dma_start3A_36] : memref<64x32xi32, #tpu.memory_space<vmem>> -> memref<32x32xi32, #tpu.memory_space<vmem>>
      %dma_start3A_38 = arith.constant 0 : i32
      %dma_start3A_39 = tpu.memref_slice %arg2[%add3A_28, %dma_start3A_38] : memref<2048x32xi32, #tpu.memory_space<hbm>> -> memref<32x32xi32, #tpu.memory_space<hbm>>
      %dma_start3A_40 = arith.constant 0 : i32
      %dma_start3A_41 = arith.constant 0 : i32
      %dma_start3A_42 = tpu.memref_slice %arg6[%dma_start3A_40, %dma_start3A_41] : memref<64x32xi32, #tpu.memory_space<vmem>> -> memref<32x32xi32, #tpu.memory_space<vmem>>
      %dma_start3A_43 = arith.constant 0 : i32
      %dma_start3A_44 = tpu.memref_slice %arg2[%add3A_28, %dma_start3A_43] : memref<2048x32xi32, #tpu.memory_space<hbm>> -> memref<32x32xi32, #tpu.memory_space<hbm>>
      tpu.enqueue_dma source(%dma_start3A_44 : memref<32x32xi32, #tpu.memory_space<hbm>>) target(%dma_start3A_42 : memref<32x32xi32, #tpu.memory_space<vmem>>) target_semaphore(%run_scoped3A : memref<!tpu.dma_semaphore, #tpu.memory_space<semaphore_mem>>)
      %dma_wait3A = arith.constant 0 : i32
      %dma_wait3A_45 = arith.constant 0 : i32
      %dma_wait3A_46 = tpu.memref_slice %arg6[%dma_wait3A, %dma_wait3A_45] : memref<64x32xi32, #tpu.memory_space<vmem>> -> memref<32x32xi32, #tpu.memory_space<vmem>>
      %dma_wait3A_47 = arith.constant 0 : i32
      %dma_wait3A_48 = tpu.memref_slice %arg2[%add3A_28, %dma_wait3A_47] : memref<2048x32xi32, #tpu.memory_space<hbm>> -> memref<32x32xi32, #tpu.memory_space<hbm>>
      %dma_wait3A_49 = arith.constant 0 : i32
      %dma_wait3A_50 = arith.constant 0 : i32
      %dma_wait3A_51 = tpu.memref_slice %arg6[%dma_wait3A_49, %dma_wait3A_50] : memref<64x32xi32, #tpu.memory_space<vmem>> -> memref<32x32xi32, #tpu.memory_space<vmem>>
      %dma_wait3A_52 = arith.constant 0 : i32
      %dma_wait3A_53 = tpu.memref_slice %arg2[%add3A_28, %dma_wait3A_52] : memref<2048x32xi32, #tpu.memory_space<hbm>> -> memref<32x32xi32, #tpu.memory_space<hbm>>
      tpu.wait_dma2 semaphore(%run_scoped3A : memref<!tpu.dma_semaphore, #tpu.memory_space<semaphore_mem>>) src(%dma_wait3A_53 : memref<32x32xi32, #tpu.memory_space<hbm>>) dst(%dma_wait3A_51 : memref<32x32xi32, #tpu.memory_space<vmem>>)
      tpu.yield
    }) : () -> ()
    "tpu.region"() ({
      %run_scoped3A = tpu.sem_alloc : memref<!tpu.dma_semaphore, #tpu.memory_space<semaphore_mem>>
      %dma_start3A = arith.constant 0 : i32
      %dma_start3A_36 = arith.constant 0 : i32
      %dma_start3A_37 = tpu.memref_slice %arg7[%dma_start3A, %dma_start3A_36] : memref<64x32xf32, #tpu.memory_space<vmem>> -> memref<32x32xf32, #tpu.memory_space<vmem>>
      %dma_start3A_38 = arith.constant 0 : i32
      %dma_start3A_39 = tpu.memref_slice %arg3[%add3A_28, %dma_start3A_38] : memref<2048x32xf32, #tpu.memory_space<hbm>> -> memref<32x32xf32, #tpu.memory_space<hbm>>
      %dma_start3A_40 = arith.constant 0 : i32
      %dma_start3A_41 = arith.constant 0 : i32
      %dma_start3A_42 = tpu.memref_slice %arg7[%dma_start3A_40, %dma_start3A_41] : memref<64x32xf32, #tpu.memory_space<vmem>> -> memref<32x32xf32, #tpu.memory_space<vmem>>
      %dma_start3A_43 = arith.constant 0 : i32
      %dma_start3A_44 = tpu.memref_slice %arg3[%add3A_28, %dma_start3A_43] : memref<2048x32xf32, #tpu.memory_space<hbm>> -> memref<32x32xf32, #tpu.memory_space<hbm>>
      tpu.enqueue_dma source(%dma_start3A_44 : memref<32x32xf32, #tpu.memory_space<hbm>>) target(%dma_start3A_42 : memref<32x32xf32, #tpu.memory_space<vmem>>) target_semaphore(%run_scoped3A : memref<!tpu.dma_semaphore, #tpu.memory_space<semaphore_mem>>)
      %dma_wait3A = arith.constant 0 : i32
      %dma_wait3A_45 = arith.constant 0 : i32
      %dma_wait3A_46 = tpu.memref_slice %arg7[%dma_wait3A, %dma_wait3A_45] : memref<64x32xf32, #tpu.memory_space<vmem>> -> memref<32x32xf32, #tpu.memory_space<vmem>>
      %dma_wait3A_47 = arith.constant 0 : i32
      %dma_wait3A_48 = tpu.memref_slice %arg3[%add3A_28, %dma_wait3A_47] : memref<2048x32xf32, #tpu.memory_space<hbm>> -> memref<32x32xf32, #tpu.memory_space<hbm>>
      %dma_wait3A_49 = arith.constant 0 : i32
      %dma_wait3A_50 = arith.constant 0 : i32
      %dma_wait3A_51 = tpu.memref_slice %arg7[%dma_wait3A_49, %dma_wait3A_50] : memref<64x32xf32, #tpu.memory_space<vmem>> -> memref<32x32xf32, #tpu.memory_space<vmem>>
      %dma_wait3A_52 = arith.constant 0 : i32
      %dma_wait3A_53 = tpu.memref_slice %arg3[%add3A_28, %dma_wait3A_52] : memref<2048x32xf32, #tpu.memory_space<hbm>> -> memref<32x32xf32, #tpu.memory_space<hbm>>
      tpu.wait_dma2 semaphore(%run_scoped3A : memref<!tpu.dma_semaphore, #tpu.memory_space<semaphore_mem>>) src(%dma_wait3A_53 : memref<32x32xf32, #tpu.memory_space<hbm>>) dst(%dma_wait3A_51 : memref<32x32xf32, #tpu.memory_space<vmem>>)
      tpu.yield
    }) : () -> ()
    %scan3A_29 = arith.constant 0 : i32
    %scan3A_30 = arith.constant 0 : i32
    %scan3A_31 = arith.constant 64 : i32
    %scan3A_32 = arith.addi %scan3A_30, %scan3A_31 : i32
    %scan3A_33 = arith.constant 1 : i32
    %scan3A_34 = scf.for %scan3A_36 = %scan3A_30 to %scan3A_32 step %scan3A_33 iter_args(%scan3A_37 = %scan3A_29) -> (i32)  : i32 {
      %jit3A = arith.constant 2 : i32
      %div3A = arith.divsi %scan3A_36, %jit3A : i32
      %sign3A = arith.constant 0 : i32
      %sign3A_38 = arith.cmpi sgt, %scan3A_36, %sign3A : i32
      %sign3A_39 = arith.extui %sign3A_38 : i1 to i32
      %sign3A_40 = arith.constant 0 : i32
      %sign3A_41 = arith.cmpi slt, %scan3A_36, %sign3A_40 : i32
      %sign3A_42 = arith.extui %sign3A_41 : i1 to i32
      %sign3A_43 = arith.subi %sign3A_39, %sign3A_42 : i32
      %sign3A_44 = arith.constant 0 : i32
      %sign3A_45 = arith.cmpi sgt, %jit3A, %sign3A_44 : i32
      %sign3A_46 = arith.extui %sign3A_45 : i1 to i32
      %sign3A_47 = arith.constant 0 : i32
      %sign3A_48 = arith.cmpi slt, %jit3A, %sign3A_47 : i32
      %sign3A_49 = arith.extui %sign3A_48 : i1 to i32
      %sign3A_50 = arith.subi %sign3A_46, %sign3A_49 : i32
      %ne3A = arith.cmpi ne, %sign3A_43, %sign3A_50 : i32
      %rem3A = arith.remsi %scan3A_36, %jit3A : i32
      %ne3A_51 = arith.constant 0 : i32
      %ne3A_52 = arith.cmpi ne, %rem3A, %ne3A_51 : i32
      %and3A = arith.andi %ne3A, %ne3A_52 : i1
      %sub3A = arith.constant 1 : i32
      %sub3A_53 = arith.subi %div3A, %sub3A : i32
      %select_n3A = arith.select %and3A, %sub3A_53, %div3A : i32
      %jit3A_54 = arith.constant 2 : i32
      %eq3A = arith.constant 0 : i32
      %eq3A_55 = arith.cmpi eq, %jit3A_54, %eq3A : i32
      %jit3A_56 = arith.constant 1 : i32
      %select_n3A_57 = arith.select %eq3A_55, %jit3A_56, %jit3A_54 : i32
      %rem3A_58 = arith.remsi %scan3A_36, %select_n3A_57 : i32
      %ne3A_59 = arith.constant 0 : i32
      %ne3A_60 = arith.cmpi ne, %rem3A_58, %ne3A_59 : i32
      %lt3A = arith.constant 0 : i32
      %lt3A_61 = arith.cmpi slt, %rem3A_58, %lt3A : i32
      %lt3A_62 = arith.constant 0 : i32
      %lt3A_63 = arith.cmpi slt, %select_n3A_57, %lt3A_62 : i32
      %ne3A_64 = arith.xori %lt3A_61, %lt3A_63 : i1
      %and3A_65 = arith.andi %ne3A_64, %ne3A_60 : i1
      %add3A_66 = arith.addi %rem3A_58, %select_n3A_57 : i32
      %select_n3A_67 = arith.select %and3A_65, %add3A_66, %rem3A_58 : i32
      %mul3A_68 = arith.constant 16 : i32
      %mul3A_69 = arith.muli %select_n3A_67, %mul3A_68 : i32
      %get3A = arith.index_cast %select_n3A : i32 to index
      %get3A_70 = arith.index_cast %mul3A_69 : i32 to index
      %get3A_71 = tpu.vector_load %arg6[%get3A, %get3A_70] {strides = array<i32>} : memref<64x32xi32, #tpu.memory_space<vmem>>, vector<16xi32>,
      %jit3A_72 = arith.constant 2 : i32
      %eq3A_73 = arith.constant 0 : i32
      %eq3A_74 = arith.cmpi eq, %jit3A_72, %eq3A_73 : i32
      %jit3A_75 = arith.constant 1 : i32
      %select_n3A_76 = arith.select %eq3A_74, %jit3A_75, %jit3A_72 : i32
      %rem3A_77 = arith.remsi %scan3A_36, %select_n3A_76 : i32
      %ne3A_78 = arith.constant 0 : i32
      %ne3A_79 = arith.cmpi ne, %rem3A_77, %ne3A_78 : i32
      %lt3A_80 = arith.constant 0 : i32
      %lt3A_81 = arith.cmpi slt, %rem3A_77, %lt3A_80 : i32
      %lt3A_82 = arith.constant 0 : i32
      %lt3A_83 = arith.cmpi slt, %select_n3A_76, %lt3A_82 : i32
      %ne3A_84 = arith.xori %lt3A_81, %lt3A_83 : i1
      %and3A_85 = arith.andi %ne3A_84, %ne3A_79 : i1
      %add3A_86 = arith.addi %rem3A_77, %select_n3A_76 : i32
      %select_n3A_87 = arith.select %and3A_85, %add3A_86, %rem3A_77 : i32
      %mul3A_88 = arith.constant 16 : i32
      %mul3A_89 = arith.muli %select_n3A_87, %mul3A_88 : i32
      %get3A_90 = arith.index_cast %select_n3A : i32 to index
      %get3A_91 = arith.index_cast %mul3A_89 : i32 to index
      %get3A_92 = tpu.vector_load %arg7[%get3A_90, %get3A_91] {strides = array<i32>} : memref<64x32xf32, #tpu.memory_space<vmem>>, vector<16xf32>,
      %broadcast_in_dim3A = vector.broadcast %select_n3A : i32 to vector<16xi32>
      %mul3A_93 = arith.constant 1.000000e+00 : f32
      %mul3A_94 = vector.broadcast %mul3A_93 : f32 to vector<16xf32>
      %mul3A_95 = arith.mulf %get3A_92, %mul3A_94 : vector<16xf32>
      tpu.vector_store_idx %arg5[%broadcast_in_dim3A, %get3A_71], %mul3A_95 {add = true} : memref<32x2048xf32, #tpu.memory_space<vmem>>[vector<16xi32>, vector<16xi32>], vector<16xf32>,
      %scan3A_96 = arith.constant 0 : i32
      scf.yield %scan3A_96 : i32
    }
    %scan3A_35 = arith.constant 64 : i32
    "tpu.region"() ({
      %run_scoped3A = tpu.sem_alloc : memref<!tpu.dma_semaphore, #tpu.memory_space<semaphore_mem>>
      %dma_start3A = arith.constant 0 : i32
      %dma_start3A_36 = tpu.memref_slice %arg4[%add3A_28, %dma_start3A] : memref<2048x2048xf32, #tpu.memory_space<hbm>> -> memref<32x2048xf32, #tpu.memory_space<hbm>>
      %dma_start3A_37 = arith.constant 0 : i32
      %dma_start3A_38 = tpu.memref_slice %arg4[%add3A_28, %dma_start3A_37] : memref<2048x2048xf32, #tpu.memory_space<hbm>> -> memref<32x2048xf32, #tpu.memory_space<hbm>>
      tpu.enqueue_dma source(%arg5 : memref<32x2048xf32, #tpu.memory_space<vmem>>) target(%dma_start3A_38 : memref<32x2048xf32, #tpu.memory_space<hbm>>) target_semaphore(%run_scoped3A : memref<!tpu.dma_semaphore, #tpu.memory_space<semaphore_mem>>)
      %dma_wait3A = arith.constant 0 : i32
      %dma_wait3A_39 = tpu.memref_slice %arg4[%add3A_28, %dma_wait3A] : memref<2048x2048xf32, #tpu.memory_space<hbm>> -> memref<32x2048xf32, #tpu.memory_space<hbm>>
      %dma_wait3A_40 = arith.constant 0 : i32
      %dma_wait3A_41 = tpu.memref_slice %arg4[%add3A_28, %dma_wait3A_40] : memref<2048x2048xf32, #tpu.memory_space<hbm>> -> memref<32x2048xf32, #tpu.memory_space<hbm>>
      tpu.wait_dma2 semaphore(%run_scoped3A : memref<!tpu.dma_semaphore, #tpu.memory_space<semaphore_mem>>) src(%arg5 : memref<32x2048xf32, #tpu.memory_space<vmem>>) dst(%dma_wait3A_41 : memref<32x2048xf32, #tpu.memory_space<hbm>>)
      tpu.yield
    }) : () -> ()
    return
  }
}

#map = affine_map<(d0, d1) -> (0, 0)>
module attributes {stable_mosaic.version = 14 : i64} {
  func.func @_sc_build_body(%arg0: i32, %arg1: i32, %arg2: memref<2048x32xi32, #tpu.memory_space<hbm>>, %arg3: memref<2048x32xf32, #tpu.memory_space<hbm>>, %arg4: memref<2048x2048xf32, #tpu.memory_space<hbm>>, %arg5: memref<32x2048xf32, #tpu.memory_space<vmem>>, %arg6: memref<64x32xi32, #tpu.memory_space<vmem>>, %arg7: memref<64x32xf32, #tpu.memory_space<vmem>>) attributes {dimension_semantics = [#tpu.dimension_semantics<core_parallel>, #tpu.dimension_semantics<subcore_parallel>], iteration_bounds = array<i64: 2, 16>, scalar_prefetch = 0 : i64, scratch_operands = 3 : i64, tpu.core_type = #tpu.core_type<sc_vector_subcore>, window_params = [{transform_indices = #map}, {transform_indices = #map}, {transform_indices = #map}]} {
    %mul3A = arith.constant 2 : i32
    %mul3A_0 = arith.muli %arg1, %mul3A : i32
    %add3A = arith.addi %mul3A_0, %arg0 : i32
    %scan3A = arith.constant 0 : i32
    %scan3A_1 = arith.constant 0 : i32
    %scan3A_2 = arith.constant 512 : i32
    %scan3A_3 = arith.addi %scan3A_1, %scan3A_2 : i32
    %scan3A_4 = arith.constant 1 : i32
    %scan3A_5 = scf.for %scan3A_36 = %scan3A_1 to %scan3A_3 step %scan3A_4 iter_args(%scan3A_37 = %scan3A) -> (i32)  : i32 {
      %jit3A = arith.constant 16 : i32
      %div3A = arith.divsi %scan3A_36, %jit3A : i32
      %sign3A = arith.constant 0 : i32
      %sign3A_38 = arith.cmpi sgt, %scan3A_36, %sign3A : i32
      %sign3A_39 = arith.extui %sign3A_38 : i1 to i32
      %sign3A_40 = arith.constant 0 : i32
      %sign3A_41 = arith.cmpi slt, %scan3A_36, %sign3A_40 : i32
      %sign3A_42 = arith.extui %sign3A_41 : i1 to i32
      %sign3A_43 = arith.subi %sign3A_39, %sign3A_42 : i32
      %sign3A_44 = arith.constant 0 : i32
      %sign3A_45 = arith.cmpi sgt, %jit3A, %sign3A_44 : i32
      %sign3A_46 = arith.extui %sign3A_45 : i1 to i32
      %sign3A_47 = arith.constant 0 : i32
      %sign3A_48 = arith.cmpi slt, %jit3A, %sign3A_47 : i32
      %sign3A_49 = arith.extui %sign3A_48 : i1 to i32
      %sign3A_50 = arith.subi %sign3A_46, %sign3A_49 : i32
      %ne3A = arith.cmpi ne, %sign3A_43, %sign3A_50 : i32
      %rem3A = arith.remsi %scan3A_36, %jit3A : i32
      %ne3A_51 = arith.constant 0 : i32
      %ne3A_52 = arith.cmpi ne, %rem3A, %ne3A_51 : i32
      %and3A = arith.andi %ne3A, %ne3A_52 : i1
      %sub3A = arith.constant 1 : i32
      %sub3A_53 = arith.subi %div3A, %sub3A : i32
      %select_n3A = arith.select %and3A, %sub3A_53, %div3A : i32
      %jit3A_54 = arith.constant 16 : i32
      %eq3A = arith.constant 0 : i32
      %eq3A_55 = arith.cmpi eq, %jit3A_54, %eq3A : i32
      %jit3A_56 = arith.constant 1 : i32
      %select_n3A_57 = arith.select %eq3A_55, %jit3A_56, %jit3A_54 : i32
      %rem3A_58 = arith.remsi %scan3A_36, %select_n3A_57 : i32
      %ne3A_59 = arith.constant 0 : i32
      %ne3A_60 = arith.cmpi ne, %rem3A_58, %ne3A_59 : i32
      %lt3A = arith.constant 0 : i32
      %lt3A_61 = arith.cmpi slt, %rem3A_58, %lt3A : i32
      %lt3A_62 = arith.constant 0 : i32
      %lt3A_63 = arith.cmpi slt, %select_n3A_57, %lt3A_62 : i32
      %ne3A_64 = arith.xori %lt3A_61, %lt3A_63 : i1
      %and3A_65 = arith.andi %ne3A_64, %ne3A_60 : i1
      %add3A_66 = arith.addi %rem3A_58, %select_n3A_57 : i32
      %select_n3A_67 = arith.select %and3A_65, %add3A_66, %rem3A_58 : i32
      %mul3A_68 = arith.constant 128 : i32
      %mul3A_69 = arith.muli %select_n3A_67, %mul3A_68 : i32
      %broadcast_in_dim3A = arith.constant 0.000000e+00 : f32
      %broadcast_in_dim3A_70 = vector.broadcast %broadcast_in_dim3A : f32 to vector<16xf32>
      %add3A_71 = arith.constant 0 : i32
      %add3A_72 = arith.addi %mul3A_69, %add3A_71 : i32
      %swap3A = arith.index_cast %select_n3A : i32 to index
      %swap3A_73 = arith.index_cast %add3A_72 : i32 to index
      %swap3A_74 = tpu.vector_load %arg5[%swap3A, %swap3A_73] {strides = array<i32>} : memref<32x2048xf32, #tpu.memory_space<vmem>>, vector<16xf32>,
      tpu.vector_store %arg5[%swap3A, %swap3A_73], %broadcast_in_dim3A_70 {strides = array<i32>} : memref<32x2048xf32, #tpu.memory_space<vmem>>, vector<16xf32>,
      %broadcast_in_dim3A_75 = arith.constant 0.000000e+00 : f32
      %broadcast_in_dim3A_76 = vector.broadcast %broadcast_in_dim3A_75 : f32 to vector<16xf32>
      %add3A_77 = arith.constant 16 : i32
      %add3A_78 = arith.addi %mul3A_69, %add3A_77 : i32
      %swap3A_79 = arith.index_cast %select_n3A : i32 to index
      %swap3A_80 = arith.index_cast %add3A_78 : i32 to index
      %swap3A_81 = tpu.vector_load %arg5[%swap3A_79, %swap3A_80] {strides = array<i32>} : memref<32x2048xf32, #tpu.memory_space<vmem>>, vector<16xf32>,
      tpu.vector_store %arg5[%swap3A_79, %swap3A_80], %broadcast_in_dim3A_76 {strides = array<i32>} : memref<32x2048xf32, #tpu.memory_space<vmem>>, vector<16xf32>,
      %broadcast_in_dim3A_82 = arith.constant 0.000000e+00 : f32
      %broadcast_in_dim3A_83 = vector.broadcast %broadcast_in_dim3A_82 : f32 to vector<16xf32>
      %add3A_84 = arith.constant 32 : i32
      %add3A_85 = arith.addi %mul3A_69, %add3A_84 : i32
      %swap3A_86 = arith.index_cast %select_n3A : i32 to index
      %swap3A_87 = arith.index_cast %add3A_85 : i32 to index
      %swap3A_88 = tpu.vector_load %arg5[%swap3A_86, %swap3A_87] {strides = array<i32>} : memref<32x2048xf32, #tpu.memory_space<vmem>>, vector<16xf32>,
      tpu.vector_store %arg5[%swap3A_86, %swap3A_87], %broadcast_in_dim3A_83 {strides = array<i32>} : memref<32x2048xf32, #tpu.memory_space<vmem>>, vector<16xf32>,
      %broadcast_in_dim3A_89 = arith.constant 0.000000e+00 : f32
      %broadcast_in_dim3A_90 = vector.broadcast %broadcast_in_dim3A_89 : f32 to vector<16xf32>
      %add3A_91 = arith.constant 48 : i32
      %add3A_92 = arith.addi %mul3A_69, %add3A_91 : i32
      %swap3A_93 = arith.index_cast %select_n3A : i32 to index
      %swap3A_94 = arith.index_cast %add3A_92 : i32 to index
      %swap3A_95 = tpu.vector_load %arg5[%swap3A_93, %swap3A_94] {strides = array<i32>} : memref<32x2048xf32, #tpu.memory_space<vmem>>, vector<16xf32>,
      tpu.vector_store %arg5[%swap3A_93, %swap3A_94], %broadcast_in_dim3A_90 {strides = array<i32>} : memref<32x2048xf32, #tpu.memory_space<vmem>>, vector<16xf32>,
      %broadcast_in_dim3A_96 = arith.constant 0.000000e+00 : f32
      %broadcast_in_dim3A_97 = vector.broadcast %broadcast_in_dim3A_96 : f32 to vector<16xf32>
      %add3A_98 = arith.constant 64 : i32
      %add3A_99 = arith.addi %mul3A_69, %add3A_98 : i32
      %swap3A_100 = arith.index_cast %select_n3A : i32 to index
      %swap3A_101 = arith.index_cast %add3A_99 : i32 to index
      %swap3A_102 = tpu.vector_load %arg5[%swap3A_100, %swap3A_101] {strides = array<i32>} : memref<32x2048xf32, #tpu.memory_space<vmem>>, vector<16xf32>,
      tpu.vector_store %arg5[%swap3A_100, %swap3A_101], %broadcast_in_dim3A_97 {strides = array<i32>} : memref<32x2048xf32, #tpu.memory_space<vmem>>, vector<16xf32>,
      %broadcast_in_dim3A_103 = arith.constant 0.000000e+00 : f32
      %broadcast_in_dim3A_104 = vector.broadcast %broadcast_in_dim3A_103 : f32 to vector<16xf32>
      %add3A_105 = arith.constant 80 : i32
      %add3A_106 = arith.addi %mul3A_69, %add3A_105 : i32
      %swap3A_107 = arith.index_cast %select_n3A : i32 to index
      %swap3A_108 = arith.index_cast %add3A_106 : i32 to index
      %swap3A_109 = tpu.vector_load %arg5[%swap3A_107, %swap3A_108] {strides = array<i32>} : memref<32x2048xf32, #tpu.memory_space<vmem>>, vector<16xf32>,
      tpu.vector_store %arg5[%swap3A_107, %swap3A_108], %broadcast_in_dim3A_104 {strides = array<i32>} : memref<32x2048xf32, #tpu.memory_space<vmem>>, vector<16xf32>,
      %broadcast_in_dim3A_110 = arith.constant 0.000000e+00 : f32
      %broadcast_in_dim3A_111 = vector.broadcast %broadcast_in_dim3A_110 : f32 to vector<16xf32>
      %add3A_112 = arith.constant 96 : i32
      %add3A_113 = arith.addi %mul3A_69, %add3A_112 : i32
      %swap3A_114 = arith.index_cast %select_n3A : i32 to index
      %swap3A_115 = arith.index_cast %add3A_113 : i32 to index
      %swap3A_116 = tpu.vector_load %arg5[%swap3A_114, %swap3A_115] {strides = array<i32>} : memref<32x2048xf32, #tpu.memory_space<vmem>>, vector<16xf32>,
      tpu.vector_store %arg5[%swap3A_114, %swap3A_115], %broadcast_in_dim3A_111 {strides = array<i32>} : memref<32x2048xf32, #tpu.memory_space<vmem>>, vector<16xf32>,
      %broadcast_in_dim3A_117 = arith.constant 0.000000e+00 : f32
      %broadcast_in_dim3A_118 = vector.broadcast %broadcast_in_dim3A_117 : f32 to vector<16xf32>
      %add3A_119 = arith.constant 112 : i32
      %add3A_120 = arith.addi %mul3A_69, %add3A_119 : i32
      %swap3A_121 = arith.index_cast %select_n3A : i32 to index
      %swap3A_122 = arith.index_cast %add3A_120 : i32 to index
      %swap3A_123 = tpu.vector_load %arg5[%swap3A_121, %swap3A_122] {strides = array<i32>} : memref<32x2048xf32, #tpu.memory_space<vmem>>, vector<16xf32>,
      tpu.vector_store %arg5[%swap3A_121, %swap3A_122], %broadcast_in_dim3A_118 {strides = array<i32>} : memref<32x2048xf32, #tpu.memory_space<vmem>>, vector<16xf32>,
      %scan3A_124 = arith.constant 0 : i32
      scf.yield %scan3A_124 : i32
    }
    %scan3A_6 = arith.constant 512 : i32
    %mul3A_7 = arith.constant 64 : i32
    %mul3A_8 = arith.muli %add3A, %mul3A_7 : i32
    %add3A_9 = arith.constant 0 : i32
    %add3A_10 = arith.addi %mul3A_8, %add3A_9 : i32
    "tpu.region"() ({
      %run_scoped3A = tpu.sem_alloc : memref<!tpu.dma_semaphore, #tpu.memory_space<semaphore_mem>>
      %dma_start3A = arith.constant 0 : i32
      %dma_start3A_36 = arith.constant 0 : i32
      %dma_start3A_37 = tpu.memref_slice %arg6[%dma_start3A, %dma_start3A_36] : memref<64x32xi32, #tpu.memory_space<vmem>> -> memref<32x32xi32, #tpu.memory_space<vmem>>
      %dma_start3A_38 = arith.constant 0 : i32
      %dma_start3A_39 = tpu.memref_slice %arg2[%add3A_10, %dma_start3A_38] : memref<2048x32xi32, #tpu.memory_space<hbm>> -> memref<32x32xi32, #tpu.memory_space<hbm>>
      %dma_start3A_40 = arith.constant 0 : i32
      %dma_start3A_41 = arith.constant 0 : i32
      %dma_start3A_42 = tpu.memref_slice %arg6[%dma_start3A_40, %dma_start3A_41] : memref<64x32xi32, #tpu.memory_space<vmem>> -> memref<32x32xi32, #tpu.memory_space<vmem>>
      %dma_start3A_43 = arith.constant 0 : i32
      %dma_start3A_44 = tpu.memref_slice %arg2[%add3A_10, %dma_start3A_43] : memref<2048x32xi32, #tpu.memory_space<hbm>> -> memref<32x32xi32, #tpu.memory_space<hbm>>
      tpu.enqueue_dma source(%dma_start3A_44 : memref<32x32xi32, #tpu.memory_space<hbm>>) target(%dma_start3A_42 : memref<32x32xi32, #tpu.memory_space<vmem>>) target_semaphore(%run_scoped3A : memref<!tpu.dma_semaphore, #tpu.memory_space<semaphore_mem>>)
      %dma_wait3A = arith.constant 0 : i32
      %dma_wait3A_45 = arith.constant 0 : i32
      %dma_wait3A_46 = tpu.memref_slice %arg6[%dma_wait3A, %dma_wait3A_45] : memref<64x32xi32, #tpu.memory_space<vmem>> -> memref<32x32xi32, #tpu.memory_space<vmem>>
      %dma_wait3A_47 = arith.constant 0 : i32
      %dma_wait3A_48 = tpu.memref_slice %arg2[%add3A_10, %dma_wait3A_47] : memref<2048x32xi32, #tpu.memory_space<hbm>> -> memref<32x32xi32, #tpu.memory_space<hbm>>
      %dma_wait3A_49 = arith.constant 0 : i32
      %dma_wait3A_50 = arith.constant 0 : i32
      %dma_wait3A_51 = tpu.memref_slice %arg6[%dma_wait3A_49, %dma_wait3A_50] : memref<64x32xi32, #tpu.memory_space<vmem>> -> memref<32x32xi32, #tpu.memory_space<vmem>>
      %dma_wait3A_52 = arith.constant 0 : i32
      %dma_wait3A_53 = tpu.memref_slice %arg2[%add3A_10, %dma_wait3A_52] : memref<2048x32xi32, #tpu.memory_space<hbm>> -> memref<32x32xi32, #tpu.memory_space<hbm>>
      tpu.wait_dma2 semaphore(%run_scoped3A : memref<!tpu.dma_semaphore, #tpu.memory_space<semaphore_mem>>) src(%dma_wait3A_53 : memref<32x32xi32, #tpu.memory_space<hbm>>) dst(%dma_wait3A_51 : memref<32x32xi32, #tpu.memory_space<vmem>>)
      tpu.yield
    }) : () -> ()
    "tpu.region"() ({
      %run_scoped3A = tpu.sem_alloc : memref<!tpu.dma_semaphore, #tpu.memory_space<semaphore_mem>>
      %dma_start3A = arith.constant 0 : i32
      %dma_start3A_36 = arith.constant 0 : i32
      %dma_start3A_37 = tpu.memref_slice %arg7[%dma_start3A, %dma_start3A_36] : memref<64x32xf32, #tpu.memory_space<vmem>> -> memref<32x32xf32, #tpu.memory_space<vmem>>
      %dma_start3A_38 = arith.constant 0 : i32
      %dma_start3A_39 = tpu.memref_slice %arg3[%add3A_10, %dma_start3A_38] : memref<2048x32xf32, #tpu.memory_space<hbm>> -> memref<32x32xf32, #tpu.memory_space<hbm>>
      %dma_start3A_40 = arith.constant 0 : i32
      %dma_start3A_41 = arith.constant 0 : i32
      %dma_start3A_42 = tpu.memref_slice %arg7[%dma_start3A_40, %dma_start3A_41] : memref<64x32xf32, #tpu.memory_space<vmem>> -> memref<32x32xf32, #tpu.memory_space<vmem>>
      %dma_start3A_43 = arith.constant 0 : i32
      %dma_start3A_44 = tpu.memref_slice %arg3[%add3A_10, %dma_start3A_43] : memref<2048x32xf32, #tpu.memory_space<hbm>> -> memref<32x32xf32, #tpu.memory_space<hbm>>
      tpu.enqueue_dma source(%dma_start3A_44 : memref<32x32xf32, #tpu.memory_space<hbm>>) target(%dma_start3A_42 : memref<32x32xf32, #tpu.memory_space<vmem>>) target_semaphore(%run_scoped3A : memref<!tpu.dma_semaphore, #tpu.memory_space<semaphore_mem>>)
      %dma_wait3A = arith.constant 0 : i32
      %dma_wait3A_45 = arith.constant 0 : i32
      %dma_wait3A_46 = tpu.memref_slice %arg7[%dma_wait3A, %dma_wait3A_45] : memref<64x32xf32, #tpu.memory_space<vmem>> -> memref<32x32xf32, #tpu.memory_space<vmem>>
      %dma_wait3A_47 = arith.constant 0 : i32
      %dma_wait3A_48 = tpu.memref_slice %arg3[%add3A_10, %dma_wait3A_47] : memref<2048x32xf32, #tpu.memory_space<hbm>> -> memref<32x32xf32, #tpu.memory_space<hbm>>
      %dma_wait3A_49 = arith.constant 0 : i32
      %dma_wait3A_50 = arith.constant 0 : i32
      %dma_wait3A_51 = tpu.memref_slice %arg7[%dma_wait3A_49, %dma_wait3A_50] : memref<64x32xf32, #tpu.memory_space<vmem>> -> memref<32x32xf32, #tpu.memory_space<vmem>>
      %dma_wait3A_52 = arith.constant 0 : i32
      %dma_wait3A_53 = tpu.memref_slice %arg3[%add3A_10, %dma_wait3A_52] : memref<2048x32xf32, #tpu.memory_space<hbm>> -> memref<32x32xf32, #tpu.memory_space<hbm>>
      tpu.wait_dma2 semaphore(%run_scoped3A : memref<!tpu.dma_semaphore, #tpu.memory_space<semaphore_mem>>) src(%dma_wait3A_53 : memref<32x32xf32, #tpu.memory_space<hbm>>) dst(%dma_wait3A_51 : memref<32x32xf32, #tpu.memory_space<vmem>>)
      tpu.yield
    }) : () -> ()
    %scan3A_11 = arith.constant 0 : i32
    %scan3A_12 = arith.constant 0 : i32
    %scan3A_13 = arith.constant 64 : i32
    %scan3A_14 = arith.addi %scan3A_12, %scan3A_13 : i32
    %scan3A_15 = arith.constant 1 : i32
    %scan3A_16 = scf.for %scan3A_36 = %scan3A_12 to %scan3A_14 step %scan3A_15 iter_args(%scan3A_37 = %scan3A_11) -> (i32)  : i32 {
      %jit3A = arith.constant 2 : i32
      %div3A = arith.divsi %scan3A_36, %jit3A : i32
      %sign3A = arith.constant 0 : i32
      %sign3A_38 = arith.cmpi sgt, %scan3A_36, %sign3A : i32
      %sign3A_39 = arith.extui %sign3A_38 : i1 to i32
      %sign3A_40 = arith.constant 0 : i32
      %sign3A_41 = arith.cmpi slt, %scan3A_36, %sign3A_40 : i32
      %sign3A_42 = arith.extui %sign3A_41 : i1 to i32
      %sign3A_43 = arith.subi %sign3A_39, %sign3A_42 : i32
      %sign3A_44 = arith.constant 0 : i32
      %sign3A_45 = arith.cmpi sgt, %jit3A, %sign3A_44 : i32
      %sign3A_46 = arith.extui %sign3A_45 : i1 to i32
      %sign3A_47 = arith.constant 0 : i32
      %sign3A_48 = arith.cmpi slt, %jit3A, %sign3A_47 : i32
      %sign3A_49 = arith.extui %sign3A_48 : i1 to i32
      %sign3A_50 = arith.subi %sign3A_46, %sign3A_49 : i32
      %ne3A = arith.cmpi ne, %sign3A_43, %sign3A_50 : i32
      %rem3A = arith.remsi %scan3A_36, %jit3A : i32
      %ne3A_51 = arith.constant 0 : i32
      %ne3A_52 = arith.cmpi ne, %rem3A, %ne3A_51 : i32
      %and3A = arith.andi %ne3A, %ne3A_52 : i1
      %sub3A = arith.constant 1 : i32
      %sub3A_53 = arith.subi %div3A, %sub3A : i32
      %select_n3A = arith.select %and3A, %sub3A_53, %div3A : i32
      %jit3A_54 = arith.constant 2 : i32
      %eq3A = arith.constant 0 : i32
      %eq3A_55 = arith.cmpi eq, %jit3A_54, %eq3A : i32
      %jit3A_56 = arith.constant 1 : i32
      %select_n3A_57 = arith.select %eq3A_55, %jit3A_56, %jit3A_54 : i32
      %rem3A_58 = arith.remsi %scan3A_36, %select_n3A_57 : i32
      %ne3A_59 = arith.constant 0 : i32
      %ne3A_60 = arith.cmpi ne, %rem3A_58, %ne3A_59 : i32
      %lt3A = arith.constant 0 : i32
      %lt3A_61 = arith.cmpi slt, %rem3A_58, %lt3A : i32
      %lt3A_62 = arith.constant 0 : i32
      %lt3A_63 = arith.cmpi slt, %select_n3A_57, %lt3A_62 : i32
      %ne3A_64 = arith.xori %lt3A_61, %lt3A_63 : i1
      %and3A_65 = arith.andi %ne3A_64, %ne3A_60 : i1
      %add3A_66 = arith.addi %rem3A_58, %select_n3A_57 : i32
      %select_n3A_67 = arith.select %and3A_65, %add3A_66, %rem3A_58 : i32
      %mul3A_68 = arith.constant 16 : i32
      %mul3A_69 = arith.muli %select_n3A_67, %mul3A_68 : i32
      %get3A = arith.index_cast %select_n3A : i32 to index
      %get3A_70 = arith.index_cast %mul3A_69 : i32 to index
      %get3A_71 = tpu.vector_load %arg6[%get3A, %get3A_70] {strides = array<i32>} : memref<64x32xi32, #tpu.memory_space<vmem>>, vector<16xi32>,
      %jit3A_72 = arith.constant 2 : i32
      %eq3A_73 = arith.constant 0 : i32
      %eq3A_74 = arith.cmpi eq, %jit3A_72, %eq3A_73 : i32
      %jit3A_75 = arith.constant 1 : i32
      %select_n3A_76 = arith.select %eq3A_74, %jit3A_75, %jit3A_72 : i32
      %rem3A_77 = arith.remsi %scan3A_36, %select_n3A_76 : i32
      %ne3A_78 = arith.constant 0 : i32
      %ne3A_79 = arith.cmpi ne, %rem3A_77, %ne3A_78 : i32
      %lt3A_80 = arith.constant 0 : i32
      %lt3A_81 = arith.cmpi slt, %rem3A_77, %lt3A_80 : i32
      %lt3A_82 = arith.constant 0 : i32
      %lt3A_83 = arith.cmpi slt, %select_n3A_76, %lt3A_82 : i32
      %ne3A_84 = arith.xori %lt3A_81, %lt3A_83 : i1
      %and3A_85 = arith.andi %ne3A_84, %ne3A_79 : i1
      %add3A_86 = arith.addi %rem3A_77, %select_n3A_76 : i32
      %select_n3A_87 = arith.select %and3A_85, %add3A_86, %rem3A_77 : i32
      %mul3A_88 = arith.constant 16 : i32
      %mul3A_89 = arith.muli %select_n3A_87, %mul3A_88 : i32
      %get3A_90 = arith.index_cast %select_n3A : i32 to index
      %get3A_91 = arith.index_cast %mul3A_89 : i32 to index
      %get3A_92 = tpu.vector_load %arg7[%get3A_90, %get3A_91] {strides = array<i32>} : memref<64x32xf32, #tpu.memory_space<vmem>>, vector<16xf32>,
      %broadcast_in_dim3A = vector.broadcast %select_n3A : i32 to vector<16xi32>
      %mul3A_93 = arith.constant 1.000000e+00 : f32
      %mul3A_94 = vector.broadcast %mul3A_93 : f32 to vector<16xf32>
      %mul3A_95 = arith.mulf %get3A_92, %mul3A_94 : vector<16xf32>
      tpu.vector_store_idx %arg5[%broadcast_in_dim3A, %get3A_71], %mul3A_95 {add = true} : memref<32x2048xf32, #tpu.memory_space<vmem>>[vector<16xi32>, vector<16xi32>], vector<16xf32>,
      %scan3A_96 = arith.constant 0 : i32
      scf.yield %scan3A_96 : i32
    }
    %scan3A_17 = arith.constant 64 : i32
    "tpu.region"() ({
      %run_scoped3A = tpu.sem_alloc : memref<!tpu.dma_semaphore, #tpu.memory_space<semaphore_mem>>
      %dma_start3A = arith.constant 0 : i32
      %dma_start3A_36 = tpu.memref_slice %arg4[%add3A_10, %dma_start3A] : memref<2048x2048xf32, #tpu.memory_space<hbm>> -> memref<32x2048xf32, #tpu.memory_space<hbm>>
      %dma_start3A_37 = arith.constant 0 : i32
      %dma_start3A_38 = tpu.memref_slice %arg4[%add3A_10, %dma_start3A_37] : memref<2048x2048xf32, #tpu.memory_space<hbm>> -> memref<32x2048xf32, #tpu.memory_space<hbm>>
      tpu.enqueue_dma source(%arg5 : memref<32x2048xf32, #tpu.memory_space<vmem>>) target(%dma_start3A_38 : memref<32x2048xf32, #tpu.memory_space<hbm>>) target_semaphore(%run_scoped3A : memref<!tpu.dma_semaphore, #tpu.memory_space<semaphore_mem>>)
      %dma_wait3A = arith.constant 0 : i32
      %dma_wait3A_39 = tpu.memref_slice %arg4[%add3A_10, %dma_wait3A] : memref<2048x2048xf32, #tpu.memory_space<hbm>> -> memref<32x2048xf32, #tpu.memory_space<hbm>>
      %dma_wait3A_40 = arith.constant 0 : i32
      %dma_wait3A_41 = tpu.memref_slice %arg4[%add3A_10, %dma_wait3A_40] : memref<2048x2048xf32, #tpu.memory_space<hbm>> -> memref<32x2048xf32, #tpu.memory_space<hbm>>
      tpu.wait_dma2 semaphore(%run_scoped3A : memref<!tpu.dma_semaphore, #tpu.memory_space<semaphore_mem>>) src(%arg5 : memref<32x2048xf32, #tpu.memory_space<vmem>>) dst(%dma_wait3A_41 : memref<32x2048xf32, #tpu.memory_space<hbm>>)
      tpu.yield
    }) : () -> ()
    %scan3A_18 = arith.constant 0 : i32
    %scan3A_19 = arith.constant 0 : i32
    %scan3A_20 = arith.constant 64 : i32
    %scan3A_21 = arith.addi %scan3A_19, %scan3A_20 : i32
    %scan3A_22 = arith.constant 1 : i32
    %scan3A_23 = scf.for %scan3A_36 = %scan3A_19 to %scan3A_21 step %scan3A_22 iter_args(%scan3A_37 = %scan3A_18) -> (i32)  : i32 {
      %jit3A = arith.constant 2 : i32
      %div3A = arith.divsi %scan3A_36, %jit3A : i32
      %sign3A = arith.constant 0 : i32
      %sign3A_38 = arith.cmpi sgt, %scan3A_36, %sign3A : i32
      %sign3A_39 = arith.extui %sign3A_38 : i1 to i32
      %sign3A_40 = arith.constant 0 : i32
      %sign3A_41 = arith.cmpi slt, %scan3A_36, %sign3A_40 : i32
      %sign3A_42 = arith.extui %sign3A_41 : i1 to i32
      %sign3A_43 = arith.subi %sign3A_39, %sign3A_42 : i32
      %sign3A_44 = arith.constant 0 : i32
      %sign3A_45 = arith.cmpi sgt, %jit3A, %sign3A_44 : i32
      %sign3A_46 = arith.extui %sign3A_45 : i1 to i32
      %sign3A_47 = arith.constant 0 : i32
      %sign3A_48 = arith.cmpi slt, %jit3A, %sign3A_47 : i32
      %sign3A_49 = arith.extui %sign3A_48 : i1 to i32
      %sign3A_50 = arith.subi %sign3A_46, %sign3A_49 : i32
      %ne3A = arith.cmpi ne, %sign3A_43, %sign3A_50 : i32
      %rem3A = arith.remsi %scan3A_36, %jit3A : i32
      %ne3A_51 = arith.constant 0 : i32
      %ne3A_52 = arith.cmpi ne, %rem3A, %ne3A_51 : i32
      %and3A = arith.andi %ne3A, %ne3A_52 : i1
      %sub3A = arith.constant 1 : i32
      %sub3A_53 = arith.subi %div3A, %sub3A : i32
      %select_n3A = arith.select %and3A, %sub3A_53, %div3A : i32
      %jit3A_54 = arith.constant 2 : i32
      %eq3A = arith.constant 0 : i32
      %eq3A_55 = arith.cmpi eq, %jit3A_54, %eq3A : i32
      %jit3A_56 = arith.constant 1 : i32
      %select_n3A_57 = arith.select %eq3A_55, %jit3A_56, %jit3A_54 : i32
      %rem3A_58 = arith.remsi %scan3A_36, %select_n3A_57 : i32
      %ne3A_59 = arith.constant 0 : i32
      %ne3A_60 = arith.cmpi ne, %rem3A_58, %ne3A_59 : i32
      %lt3A = arith.constant 0 : i32
      %lt3A_61 = arith.cmpi slt, %rem3A_58, %lt3A : i32
      %lt3A_62 = arith.constant 0 : i32
      %lt3A_63 = arith.cmpi slt, %select_n3A_57, %lt3A_62 : i32
      %ne3A_64 = arith.xori %lt3A_61, %lt3A_63 : i1
      %and3A_65 = arith.andi %ne3A_64, %ne3A_60 : i1
      %add3A_66 = arith.addi %rem3A_58, %select_n3A_57 : i32
      %select_n3A_67 = arith.select %and3A_65, %add3A_66, %rem3A_58 : i32
      %mul3A_68 = arith.constant 16 : i32
      %mul3A_69 = arith.muli %select_n3A_67, %mul3A_68 : i32
      %get3A = arith.index_cast %select_n3A : i32 to index
      %get3A_70 = arith.index_cast %mul3A_69 : i32 to index
      %get3A_71 = tpu.vector_load %arg6[%get3A, %get3A_70] {strides = array<i32>} : memref<64x32xi32, #tpu.memory_space<vmem>>, vector<16xi32>,
      %jit3A_72 = arith.constant 2 : i32
      %eq3A_73 = arith.constant 0 : i32
      %eq3A_74 = arith.cmpi eq, %jit3A_72, %eq3A_73 : i32
      %jit3A_75 = arith.constant 1 : i32
      %select_n3A_76 = arith.select %eq3A_74, %jit3A_75, %jit3A_72 : i32
      %rem3A_77 = arith.remsi %scan3A_36, %select_n3A_76 : i32
      %ne3A_78 = arith.constant 0 : i32
      %ne3A_79 = arith.cmpi ne, %rem3A_77, %ne3A_78 : i32
      %lt3A_80 = arith.constant 0 : i32
      %lt3A_81 = arith.cmpi slt, %rem3A_77, %lt3A_80 : i32
      %lt3A_82 = arith.constant 0 : i32
      %lt3A_83 = arith.cmpi slt, %select_n3A_76, %lt3A_82 : i32
      %ne3A_84 = arith.xori %lt3A_81, %lt3A_83 : i1
      %and3A_85 = arith.andi %ne3A_84, %ne3A_79 : i1
      %add3A_86 = arith.addi %rem3A_77, %select_n3A_76 : i32
      %select_n3A_87 = arith.select %and3A_85, %add3A_86, %rem3A_77 : i32
      %mul3A_88 = arith.constant 16 : i32
      %mul3A_89 = arith.muli %select_n3A_87, %mul3A_88 : i32
      %get3A_90 = arith.index_cast %select_n3A : i32 to index
      %get3A_91 = arith.index_cast %mul3A_89 : i32 to index
      %get3A_92 = tpu.vector_load %arg7[%get3A_90, %get3A_91] {strides = array<i32>} : memref<64x32xf32, #tpu.memory_space<vmem>>, vector<16xf32>,
      %broadcast_in_dim3A = vector.broadcast %select_n3A : i32 to vector<16xi32>
      %mul3A_93 = arith.constant -1.000000e+00 : f32
      %mul3A_94 = vector.broadcast %mul3A_93 : f32 to vector<16xf32>
      %mul3A_95 = arith.mulf %get3A_92, %mul3A_94 : vector<16xf32>
      tpu.vector_store_idx %arg5[%broadcast_in_dim3A, %get3A_71], %mul3A_95 {add = true} : memref<32x2048xf32, #tpu.memory_space<vmem>>[vector<16xi32>, vector<16xi32>], vector<16xf32>,
      %scan3A_96 = arith.constant 0 : i32
      scf.yield %scan3A_96 : i32
    }
    %scan3A_24 = arith.constant 64 : i32
    %mul3A_25 = arith.constant 64 : i32
    %mul3A_26 = arith.muli %add3A, %mul3A_25 : i32
    %add3A_27 = arith.constant 32 : i32
    %add3A_28 = arith.addi %mul3A_26, %add3A_27 : i32
    "tpu.region"() ({
      %run_scoped3A = tpu.sem_alloc : memref<!tpu.dma_semaphore, #tpu.memory_space<semaphore_mem>>
      %dma_start3A = arith.constant 0 : i32
      %dma_start3A_36 = arith.constant 0 : i32
      %dma_start3A_37 = tpu.memref_slice %arg6[%dma_start3A, %dma_start3A_36] : memref<64x32xi32, #tpu.memory_space<vmem>> -> memref<32x32xi32, #tpu.memory_space<vmem>>
      %dma_start3A_38 = arith.constant 0 : i32
      %dma_start3A_39 = tpu.memref_slice %arg2[%add3A_28, %dma_start3A_38] : memref<2048x32xi32, #tpu.memory_space<hbm>> -> memref<32x32xi32, #tpu.memory_space<hbm>>
      %dma_start3A_40 = arith.constant 0 : i32
      %dma_start3A_41 = arith.constant 0 : i32
      %dma_start3A_42 = tpu.memref_slice %arg6[%dma_start3A_40, %dma_start3A_41] : memref<64x32xi32, #tpu.memory_space<vmem>> -> memref<32x32xi32, #tpu.memory_space<vmem>>
      %dma_start3A_43 = arith.constant 0 : i32
      %dma_start3A_44 = tpu.memref_slice %arg2[%add3A_28, %dma_start3A_43] : memref<2048x32xi32, #tpu.memory_space<hbm>> -> memref<32x32xi32, #tpu.memory_space<hbm>>
      tpu.enqueue_dma source(%dma_start3A_44 : memref<32x32xi32, #tpu.memory_space<hbm>>) target(%dma_start3A_42 : memref<32x32xi32, #tpu.memory_space<vmem>>) target_semaphore(%run_scoped3A : memref<!tpu.dma_semaphore, #tpu.memory_space<semaphore_mem>>)
      %dma_wait3A = arith.constant 0 : i32
      %dma_wait3A_45 = arith.constant 0 : i32
      %dma_wait3A_46 = tpu.memref_slice %arg6[%dma_wait3A, %dma_wait3A_45] : memref<64x32xi32, #tpu.memory_space<vmem>> -> memref<32x32xi32, #tpu.memory_space<vmem>>
      %dma_wait3A_47 = arith.constant 0 : i32
      %dma_wait3A_48 = tpu.memref_slice %arg2[%add3A_28, %dma_wait3A_47] : memref<2048x32xi32, #tpu.memory_space<hbm>> -> memref<32x32xi32, #tpu.memory_space<hbm>>
      %dma_wait3A_49 = arith.constant 0 : i32
      %dma_wait3A_50 = arith.constant 0 : i32
      %dma_wait3A_51 = tpu.memref_slice %arg6[%dma_wait3A_49, %dma_wait3A_50] : memref<64x32xi32, #tpu.memory_space<vmem>> -> memref<32x32xi32, #tpu.memory_space<vmem>>
      %dma_wait3A_52 = arith.constant 0 : i32
      %dma_wait3A_53 = tpu.memref_slice %arg2[%add3A_28, %dma_wait3A_52] : memref<2048x32xi32, #tpu.memory_space<hbm>> -> memref<32x32xi32, #tpu.memory_space<hbm>>
      tpu.wait_dma2 semaphore(%run_scoped3A : memref<!tpu.dma_semaphore, #tpu.memory_space<semaphore_mem>>) src(%dma_wait3A_53 : memref<32x32xi32, #tpu.memory_space<hbm>>) dst(%dma_wait3A_51 : memref<32x32xi32, #tpu.memory_space<vmem>>)
      tpu.yield
    }) : () -> ()
    "tpu.region"() ({
      %run_scoped3A = tpu.sem_alloc : memref<!tpu.dma_semaphore, #tpu.memory_space<semaphore_mem>>
      %dma_start3A = arith.constant 0 : i32
      %dma_start3A_36 = arith.constant 0 : i32
      %dma_start3A_37 = tpu.memref_slice %arg7[%dma_start3A, %dma_start3A_36] : memref<64x32xf32, #tpu.memory_space<vmem>> -> memref<32x32xf32, #tpu.memory_space<vmem>>
      %dma_start3A_38 = arith.constant 0 : i32
      %dma_start3A_39 = tpu.memref_slice %arg3[%add3A_28, %dma_start3A_38] : memref<2048x32xf32, #tpu.memory_space<hbm>> -> memref<32x32xf32, #tpu.memory_space<hbm>>
      %dma_start3A_40 = arith.constant 0 : i32
      %dma_start3A_41 = arith.constant 0 : i32
      %dma_start3A_42 = tpu.memref_slice %arg7[%dma_start3A_40, %dma_start3A_41] : memref<64x32xf32, #tpu.memory_space<vmem>> -> memref<32x32xf32, #tpu.memory_space<vmem>>
      %dma_start3A_43 = arith.constant 0 : i32
      %dma_start3A_44 = tpu.memref_slice %arg3[%add3A_28, %dma_start3A_43] : memref<2048x32xf32, #tpu.memory_space<hbm>> -> memref<32x32xf32, #tpu.memory_space<hbm>>
      tpu.enqueue_dma source(%dma_start3A_44 : memref<32x32xf32, #tpu.memory_space<hbm>>) target(%dma_start3A_42 : memref<32x32xf32, #tpu.memory_space<vmem>>) target_semaphore(%run_scoped3A : memref<!tpu.dma_semaphore, #tpu.memory_space<semaphore_mem>>)
      %dma_wait3A = arith.constant 0 : i32
      %dma_wait3A_45 = arith.constant 0 : i32
      %dma_wait3A_46 = tpu.memref_slice %arg7[%dma_wait3A, %dma_wait3A_45] : memref<64x32xf32, #tpu.memory_space<vmem>> -> memref<32x32xf32, #tpu.memory_space<vmem>>
      %dma_wait3A_47 = arith.constant 0 : i32
      %dma_wait3A_48 = tpu.memref_slice %arg3[%add3A_28, %dma_wait3A_47] : memref<2048x32xf32, #tpu.memory_space<hbm>> -> memref<32x32xf32, #tpu.memory_space<hbm>>
      %dma_wait3A_49 = arith.constant 0 : i32
      %dma_wait3A_50 = arith.constant 0 : i32
      %dma_wait3A_51 = tpu.memref_slice %arg7[%dma_wait3A_49, %dma_wait3A_50] : memref<64x32xf32, #tpu.memory_space<vmem>> -> memref<32x32xf32, #tpu.memory_space<vmem>>
      %dma_wait3A_52 = arith.constant 0 : i32
      %dma_wait3A_53 = tpu.memref_slice %arg3[%add3A_28, %dma_wait3A_52] : memref<2048x32xf32, #tpu.memory_space<hbm>> -> memref<32x32xf32, #tpu.memory_space<hbm>>
      tpu.wait_dma2 semaphore(%run_scoped3A : memref<!tpu.dma_semaphore, #tpu.memory_space<semaphore_mem>>) src(%dma_wait3A_53 : memref<32x32xf32, #tpu.memory_space<hbm>>) dst(%dma_wait3A_51 : memref<32x32xf32, #tpu.memory_space<vmem>>)
      tpu.yield
    }) : () -> ()
    %scan3A_29 = arith.constant 0 : i32
    %scan3A_30 = arith.constant 0 : i32
    %scan3A_31 = arith.constant 64 : i32
    %scan3A_32 = arith.addi %scan3A_30, %scan3A_31 : i32
    %scan3A_33 = arith.constant 1 : i32
    %scan3A_34 = scf.for %scan3A_36 = %scan3A_30 to %scan3A_32 step %scan3A_33 iter_args(%scan3A_37 = %scan3A_29) -> (i32)  : i32 {
      %jit3A = arith.constant 2 : i32
      %div3A = arith.divsi %scan3A_36, %jit3A : i32
      %sign3A = arith.constant 0 : i32
      %sign3A_38 = arith.cmpi sgt, %scan3A_36, %sign3A : i32
      %sign3A_39 = arith.extui %sign3A_38 : i1 to i32
      %sign3A_40 = arith.constant 0 : i32
      %sign3A_41 = arith.cmpi slt, %scan3A_36, %sign3A_40 : i32
      %sign3A_42 = arith.extui %sign3A_41 : i1 to i32
      %sign3A_43 = arith.subi %sign3A_39, %sign3A_42 : i32
      %sign3A_44 = arith.constant 0 : i32
      %sign3A_45 = arith.cmpi sgt, %jit3A, %sign3A_44 : i32
      %sign3A_46 = arith.extui %sign3A_45 : i1 to i32
      %sign3A_47 = arith.constant 0 : i32
      %sign3A_48 = arith.cmpi slt, %jit3A, %sign3A_47 : i32
      %sign3A_49 = arith.extui %sign3A_48 : i1 to i32
      %sign3A_50 = arith.subi %sign3A_46, %sign3A_49 : i32
      %ne3A = arith.cmpi ne, %sign3A_43, %sign3A_50 : i32
      %rem3A = arith.remsi %scan3A_36, %jit3A : i32
      %ne3A_51 = arith.constant 0 : i32
      %ne3A_52 = arith.cmpi ne, %rem3A, %ne3A_51 : i32
      %and3A = arith.andi %ne3A, %ne3A_52 : i1
      %sub3A = arith.constant 1 : i32
      %sub3A_53 = arith.subi %div3A, %sub3A : i32
      %select_n3A = arith.select %and3A, %sub3A_53, %div3A : i32
      %jit3A_54 = arith.constant 2 : i32
      %eq3A = arith.constant 0 : i32
      %eq3A_55 = arith.cmpi eq, %jit3A_54, %eq3A : i32
      %jit3A_56 = arith.constant 1 : i32
      %select_n3A_57 = arith.select %eq3A_55, %jit3A_56, %jit3A_54 : i32
      %rem3A_58 = arith.remsi %scan3A_36, %select_n3A_57 : i32
      %ne3A_59 = arith.constant 0 : i32
      %ne3A_60 = arith.cmpi ne, %rem3A_58, %ne3A_59 : i32
      %lt3A = arith.constant 0 : i32
      %lt3A_61 = arith.cmpi slt, %rem3A_58, %lt3A : i32
      %lt3A_62 = arith.constant 0 : i32
      %lt3A_63 = arith.cmpi slt, %select_n3A_57, %lt3A_62 : i32
      %ne3A_64 = arith.xori %lt3A_61, %lt3A_63 : i1
      %and3A_65 = arith.andi %ne3A_64, %ne3A_60 : i1
      %add3A_66 = arith.addi %rem3A_58, %select_n3A_57 : i32
      %select_n3A_67 = arith.select %and3A_65, %add3A_66, %rem3A_58 : i32
      %mul3A_68 = arith.constant 16 : i32
      %mul3A_69 = arith.muli %select_n3A_67, %mul3A_68 : i32
      %get3A = arith.index_cast %select_n3A : i32 to index
      %get3A_70 = arith.index_cast %mul3A_69 : i32 to index
      %get3A_71 = tpu.vector_load %arg6[%get3A, %get3A_70] {strides = array<i32>} : memref<64x32xi32, #tpu.memory_space<vmem>>, vector<16xi32>,
      %jit3A_72 = arith.constant 2 : i32
      %eq3A_73 = arith.constant 0 : i32
      %eq3A_74 = arith.cmpi eq, %jit3A_72, %eq3A_73 : i32
      %jit3A_75 = arith.constant 1 : i32
      %select_n3A_76 = arith.select %eq3A_74, %jit3A_75, %jit3A_72 : i32
      %rem3A_77 = arith.remsi %scan3A_36, %select_n3A_76 : i32
      %ne3A_78 = arith.constant 0 : i32
      %ne3A_79 = arith.cmpi ne, %rem3A_77, %ne3A_78 : i32
      %lt3A_80 = arith.constant 0 : i32
      %lt3A_81 = arith.cmpi slt, %rem3A_77, %lt3A_80 : i32
      %lt3A_82 = arith.constant 0 : i32
      %lt3A_83 = arith.cmpi slt, %select_n3A_76, %lt3A_82 : i32
      %ne3A_84 = arith.xori %lt3A_81, %lt3A_83 : i1
      %and3A_85 = arith.andi %ne3A_84, %ne3A_79 : i1
      %add3A_86 = arith.addi %rem3A_77, %select_n3A_76 : i32
      %select_n3A_87 = arith.select %and3A_85, %add3A_86, %rem3A_77 : i32
      %mul3A_88 = arith.constant 16 : i32
      %mul3A_89 = arith.muli %select_n3A_87, %mul3A_88 : i32
      %get3A_90 = arith.index_cast %select_n3A : i32 to index
      %get3A_91 = arith.index_cast %mul3A_89 : i32 to index
      %get3A_92 = tpu.vector_load %arg7[%get3A_90, %get3A_91] {strides = array<i32>} : memref<64x32xf32, #tpu.memory_space<vmem>>, vector<16xf32>,
      %broadcast_in_dim3A = vector.broadcast %select_n3A : i32 to vector<16xi32>
      %mul3A_93 = arith.constant 1.000000e+00 : f32
      %mul3A_94 = vector.broadcast %mul3A_93 : f32 to vector<16xf32>
      %mul3A_95 = arith.mulf %get3A_92, %mul3A_94 : vector<16xf32>
      tpu.vector_store_idx %arg5[%broadcast_in_dim3A, %get3A_71], %mul3A_95 {add = true} : memref<32x2048xf32, #tpu.memory_space<vmem>>[vector<16xi32>, vector<16xi32>], vector<16xf32>,
      %scan3A_96 = arith.constant 0 : i32
      scf.yield %scan3A_96 : i32
    }
    %scan3A_35 = arith.constant 64 : i32
    "tpu.region"() ({
      %run_scoped3A = tpu.sem_alloc : memref<!tpu.dma_semaphore, #tpu.memory_space<semaphore_mem>>
      %dma_start3A = arith.constant 0 : i32
      %dma_start3A_36 = tpu.memref_slice %arg4[%add3A_28, %dma_start3A] : memref<2048x2048xf32, #tpu.memory_space<hbm>> -> memref<32x2048xf32, #tpu.memory_space<hbm>>
      %dma_start3A_37 = arith.constant 0 : i32
      %dma_start3A_38 = tpu.memref_slice %arg4[%add3A_28, %dma_start3A_37] : memref<2048x2048xf32, #tpu.memory_space<hbm>> -> memref<32x2048xf32, #tpu.memory_space<hbm>>
      tpu.enqueue_dma source(%arg5 : memref<32x2048xf32, #tpu.memory_space<vmem>>) target(%dma_start3A_38 : memref<32x2048xf32, #tpu.memory_space<hbm>>) target_semaphore(%run_scoped3A : memref<!tpu.dma_semaphore, #tpu.memory_space<semaphore_mem>>)
      %dma_wait3A = arith.constant 0 : i32
      %dma_wait3A_39 = tpu.memref_slice %arg4[%add3A_28, %dma_wait3A] : memref<2048x2048xf32, #tpu.memory_space<hbm>> -> memref<32x2048xf32, #tpu.memory_space<hbm>>
      %dma_wait3A_40 = arith.constant 0 : i32
      %dma_wait3A_41 = tpu.memref_slice %arg4[%add3A_28, %dma_wait3A_40] : memref<2048x2048xf32, #tpu.memory_space<hbm>> -> memref<32x2048xf32, #tpu.memory_space<hbm>>
      tpu.wait_dma2 semaphore(%run_scoped3A : memref<!tpu.dma_semaphore, #tpu.memory_space<semaphore_mem>>) src(%arg5 : memref<32x2048xf32, #tpu.memory_space<vmem>>) dst(%dma_wait3A_41 : memref<32x2048xf32, #tpu.memory_space<hbm>>)
      tpu.yield
    }) : () -> ()
    return
  }
}

module attributes {stable_mosaic.version = 14 : i64} {
  func.func @_wout_cast_kernel(%arg0: i32, %arg1: i32, %arg2: memref<1x512x1000xf32, #tpu.memory_space<vmem>>, %arg3: memref<1x512x1000xbf16, #tpu.memory_space<vmem>>) attributes {dimension_semantics = [#tpu.dimension_semantics<parallel>, #tpu.dimension_semantics<parallel>], iteration_bounds = array<i64: 3, 4>, scalar_prefetch = 0 : i64, scratch_operands = 0 : i64, tpu.core_type = #tpu.core_type<tc>, window_params = [{transform_indices = @transform_0, window_bounds = array<i64: 1, 512, 1000>}, {transform_indices = @transform_1, window_bounds = array<i64: 1, 512, 1000>}]} {
    %get3A = arith.constant 0 : index
    %get3A_0 = arith.constant 0 : index
    %get3A_1 = arith.constant 0 : index
    %get3A_2 = vector.load %arg2[%get3A, %get3A_0, %get3A_1] : memref<1x512x1000xf32, #tpu.memory_space<vmem>>, vector<1x512x1000xf32>
    %convert_element_type3A = arith.truncf %get3A_2 : vector<1x512x1000xf32> to vector<1x512x1000xbf16>
    %swap3A = arith.constant 0 : index
    %swap3A_3 = arith.constant 0 : index
    %swap3A_4 = arith.constant 0 : index
    %swap3A_5 = vector.load %arg3[%swap3A, %swap3A_3, %swap3A_4] : memref<1x512x1000xbf16, #tpu.memory_space<vmem>>, vector<1x512x1000xbf16>
    tpu.vector_store %arg3[%swap3A, %swap3A_3, %swap3A_4], %convert_element_type3A {strides = array<i32>} : memref<1x512x1000xbf16, #tpu.memory_space<vmem>>, vector<1x512x1000xbf16>,
    return
  }
  func.func @transform_0(%arg0: i32, %arg1: i32) -> (i32, i32, i32) {
    %c0_i32 = arith.constant 0 : i32
    %c0_i32_0 = arith.constant 0 : i32
    return %arg0, %arg1, %c0_i32 : i32, i32, i32
  }
  func.func @transform_1(%arg0: i32, %arg1: i32) -> (i32, i32, i32) {
    %c0_i32 = arith.constant 0 : i32
    %c0_i32_0 = arith.constant 0 : i32
    return %arg0, %arg1, %c0_i32 : i32, i32, i32
  }
}

module attributes {stable_mosaic.version = 14 : i64} {
  func.func @_act_kernel(%arg0: i32, %arg1: memref<1024x2048xbf16, #tpu.memory_space<vmem>>, %arg2: memref<512x2048xf32, #tpu.memory_space<vmem>>, %arg3: memref<1024x512xbf16, #tpu.memory_space<vmem>>) attributes {dimension_semantics = [#tpu.dimension_semantics<parallel>], iteration_bounds = array<i64: 4>, scalar_prefetch = 0 : i64, scratch_operands = 0 : i64, tpu.core_type = #tpu.core_type<tc>, window_params = [{pipeline_mode = #tpu.pipeline_mode<synchronous>, transform_indices = @transform_0, window_bounds = array<i64: 1024, 2048>}, {transform_indices = @transform_1, window_bounds = array<i64: 512, 2048>}, {transform_indices = @transform_2, window_bounds = array<i64: 1024, 512>}]} {
    %get3A = arith.constant 0 : index
    %get3A_0 = arith.constant 0 : index
    %get3A_1 = vector.load %arg2[%get3A, %get3A_0] : memref<512x2048xf32, #tpu.memory_space<vmem>>, vector<512x2048xf32>
    %convert_element_type3A = arith.truncf %get3A_1 : vector<512x2048xf32> to vector<512x2048xbf16>
    %get3A_2 = arith.constant 0 : index
    %get3A_3 = arith.constant 0 : index
    %get3A_4 = vector.load %arg1[%get3A_2, %get3A_3] : memref<1024x2048xbf16, #tpu.memory_space<vmem>>, vector<1024x2048xbf16>
    %dot_general3A = arith.constant dense<0.000000e+00> : vector<1024x512xf32>
    %dot_general3A_5 = tpu.matmul %get3A_4, %convert_element_type3A, %dot_general3A {dimension_numbers = #tpu.dot_dimension_numbers<[1], [1], [0], [0], [0, 0, 1, 0], [], []>, transpose_lhs_hint = false} : vector<1024x2048xbf16>, vector<512x2048xbf16>, vector<1024x512xf32> -> vector<1024x512xf32>
    %gt3A = arith.constant 0.000000e+00 : f32
    %gt3A_6 = vector.broadcast %gt3A : f32 to vector<1024x512xf32>
    %gt3A_7 = arith.cmpf ogt, %dot_general3A_5, %gt3A_6 : vector<1024x512xf32>
    %convert_element_type3A_8 = arith.extui %gt3A_7 : vector<1024x512xi1> to vector<1024x512xi32>
    %convert_element_type3A_9 = arith.sitofp %convert_element_type3A_8 : vector<1024x512xi32> to vector<1024x512xf32>
    %convert_element_type3A_10 = arith.truncf %convert_element_type3A_9 : vector<1024x512xf32> to vector<1024x512xbf16>
    %swap3A = arith.constant 0 : index
    %swap3A_11 = arith.constant 0 : index
    %swap3A_12 = vector.load %arg3[%swap3A, %swap3A_11] : memref<1024x512xbf16, #tpu.memory_space<vmem>>, vector<1024x512xbf16>
    tpu.vector_store %arg3[%swap3A, %swap3A_11], %convert_element_type3A_10 {strides = array<i32>} : memref<1024x512xbf16, #tpu.memory_space<vmem>>, vector<1024x512xbf16>,
    return
  }
  func.func @transform_0(%arg0: i32) -> (i32, i32) {
    %c0_i32 = arith.constant 0 : i32
    %c0_i32_0 = arith.constant 0 : i32
    %c0_i32_1 = arith.constant 0 : i32
    return %c0_i32, %c0_i32_0 : i32, i32
  }
  func.func @transform_1(%arg0: i32) -> (i32, i32) {
    %c0_i32 = arith.constant 0 : i32
    %c0_i32_0 = arith.constant 0 : i32
    return %arg0, %c0_i32 : i32, i32
  }
  func.func @transform_2(%arg0: i32) -> (i32, i32) {
    %c0_i32 = arith.constant 0 : i32
    %c0_i32_0 = arith.constant 0 : i32
    return %c0_i32, %arg0 : i32, i32
  }
}

module attributes {stable_mosaic.version = 14 : i64} {
  func.func @_act0_kernel(%arg0: i32, %arg1: memref<1024x128xf32, #tpu.memory_space<vmem>>, %arg2: memref<512x1024xf32, #tpu.memory_space<vmem>>, %arg3: memref<1024x512xbf16, #tpu.memory_space<vmem>>) attributes {dimension_semantics = [#tpu.dimension_semantics<parallel>], iteration_bounds = array<i64: 4>, scalar_prefetch = 0 : i64, scratch_operands = 0 : i64, tpu.core_type = #tpu.core_type<tc>, window_params = [{pipeline_mode = #tpu.pipeline_mode<synchronous>, transform_indices = @transform_0, window_bounds = array<i64: 1024, 128>}, {transform_indices = @transform_1, window_bounds = array<i64: 512, 1024>}, {transform_indices = @transform_2, window_bounds = array<i64: 1024, 512>}]} {
    %get3A = arith.constant 0 : index
    %get3A_0 = arith.constant 0 : index
    %get3A_1 = vector.load %arg1[%get3A, %get3A_0] : memref<1024x128xf32, #tpu.memory_space<vmem>>, vector<1024x128xf32>
    %gt3A = arith.constant 6.250000e-02 : f32
    %gt3A_2 = vector.broadcast %gt3A : f32 to vector<1024x128xf32>
    %gt3A_3 = arith.cmpf ogt, %get3A_1, %gt3A_2 : vector<1024x128xf32>
    %convert_element_type3A = arith.extui %gt3A_3 : vector<1024x128xi1> to vector<1024x128xi32>
    %convert_element_type3A_4 = arith.sitofp %convert_element_type3A : vector<1024x128xi32> to vector<1024x128xf32>
    %convert_element_type3A_5 = arith.truncf %convert_element_type3A_4 : vector<1024x128xf32> to vector<1024x128xbf16>
    %gt3A_6 = arith.constant 1.875000e-01 : f32
    %gt3A_7 = vector.broadcast %gt3A_6 : f32 to vector<1024x128xf32>
    %gt3A_8 = arith.cmpf ogt, %get3A_1, %gt3A_7 : vector<1024x128xf32>
    %convert_element_type3A_9 = arith.extui %gt3A_8 : vector<1024x128xi1> to vector<1024x128xi32>
    %convert_element_type3A_10 = arith.sitofp %convert_element_type3A_9 : vector<1024x128xi32> to vector<1024x128xf32>
    %convert_element_type3A_11 = arith.truncf %convert_element_type3A_10 : vector<1024x128xf32> to vector<1024x128xbf16>
    %gt3A_12 = arith.constant 3.125000e-01 : f32
    %gt3A_13 = vector.broadcast %gt3A_12 : f32 to vector<1024x128xf32>
    %gt3A_14 = arith.cmpf ogt, %get3A_1, %gt3A_13 : vector<1024x128xf32>
    %convert_element_type3A_15 = arith.extui %gt3A_14 : vector<1024x128xi1> to vector<1024x128xi32>
    %convert_element_type3A_16 = arith.sitofp %convert_element_type3A_15 : vector<1024x128xi32> to vector<1024x128xf32>
    %convert_element_type3A_17 = arith.truncf %convert_element_type3A_16 : vector<1024x128xf32> to vector<1024x128xbf16>
    %gt3A_18 = arith.constant 4.375000e-01 : f32
    %gt3A_19 = vector.broadcast %gt3A_18 : f32 to vector<1024x128xf32>
    %gt3A_20 = arith.cmpf ogt, %get3A_1, %gt3A_19 : vector<1024x128xf32>
    %convert_element_type3A_21 = arith.extui %gt3A_20 : vector<1024x128xi1> to vector<1024x128xi32>
    %convert_element_type3A_22 = arith.sitofp %convert_element_type3A_21 : vector<1024x128xi32> to vector<1024x128xf32>
    %convert_element_type3A_23 = arith.truncf %convert_element_type3A_22 : vector<1024x128xf32> to vector<1024x128xbf16>
    %gt3A_24 = arith.constant 5.625000e-01 : f32
    %gt3A_25 = vector.broadcast %gt3A_24 : f32 to vector<1024x128xf32>
    %gt3A_26 = arith.cmpf ogt, %get3A_1, %gt3A_25 : vector<1024x128xf32>
    %convert_element_type3A_27 = arith.extui %gt3A_26 : vector<1024x128xi1> to vector<1024x128xi32>
    %convert_element_type3A_28 = arith.sitofp %convert_element_type3A_27 : vector<1024x128xi32> to vector<1024x128xf32>
    %convert_element_type3A_29 = arith.truncf %convert_element_type3A_28 : vector<1024x128xf32> to vector<1024x128xbf16>
    %gt3A_30 = arith.constant 6.875000e-01 : f32
    %gt3A_31 = vector.broadcast %gt3A_30 : f32 to vector<1024x128xf32>
    %gt3A_32 = arith.cmpf ogt, %get3A_1, %gt3A_31 : vector<1024x128xf32>
    %convert_element_type3A_33 = arith.extui %gt3A_32 : vector<1024x128xi1> to vector<1024x128xi32>
    %convert_element_type3A_34 = arith.sitofp %convert_element_type3A_33 : vector<1024x128xi32> to vector<1024x128xf32>
    %convert_element_type3A_35 = arith.truncf %convert_element_type3A_34 : vector<1024x128xf32> to vector<1024x128xbf16>
    %gt3A_36 = arith.constant 8.125000e-01 : f32
    %gt3A_37 = vector.broadcast %gt3A_36 : f32 to vector<1024x128xf32>
    %gt3A_38 = arith.cmpf ogt, %get3A_1, %gt3A_37 : vector<1024x128xf32>
    %convert_element_type3A_39 = arith.extui %gt3A_38 : vector<1024x128xi1> to vector<1024x128xi32>
    %convert_element_type3A_40 = arith.sitofp %convert_element_type3A_39 : vector<1024x128xi32> to vector<1024x128xf32>
    %convert_element_type3A_41 = arith.truncf %convert_element_type3A_40 : vector<1024x128xf32> to vector<1024x128xbf16>
    %gt3A_42 = arith.constant 9.375000e-01 : f32
    %gt3A_43 = vector.broadcast %gt3A_42 : f32 to vector<1024x128xf32>
    %gt3A_44 = arith.cmpf ogt, %get3A_1, %gt3A_43 : vector<1024x128xf32>
    %convert_element_type3A_45 = arith.extui %gt3A_44 : vector<1024x128xi1> to vector<1024x128xi32>
    %convert_element_type3A_46 = arith.sitofp %convert_element_type3A_45 : vector<1024x128xi32> to vector<1024x128xf32>
    %convert_element_type3A_47 = arith.truncf %convert_element_type3A_46 : vector<1024x128xf32> to vector<1024x128xbf16>
    %concatenate3A = tpu.concatenate %convert_element_type3A_5, %convert_element_type3A_11, %convert_element_type3A_17, %convert_element_type3A_23, %convert_element_type3A_29, %convert_element_type3A_35, %convert_element_type3A_41, %convert_element_type3A_47 in 1 : vector<1024x128xbf16>, vector<1024x128xbf16>, vector<1024x128xbf16>, vector<1024x128xbf16>, vector<1024x128xbf16>, vector<1024x128xbf16>, vector<1024x128xbf16>, vector<1024x128xbf16> -> vector<1024x1024xbf16>
    %get3A_48 = arith.constant 0 : index
    %get3A_49 = arith.constant 0 : index
    %get3A_50 = vector.load %arg2[%get3A_48, %get3A_49] : memref<512x1024xf32, #tpu.memory_space<vmem>>, vector<512x1024xf32>
    %convert_element_type3A_51 = arith.truncf %get3A_50 : vector<512x1024xf32> to vector<512x1024xbf16>
    %dot_general3A = arith.constant dense<0.000000e+00> : vector<1024x512xf32>
    %dot_general3A_52 = tpu.matmul %concatenate3A, %convert_element_type3A_51, %dot_general3A {dimension_numbers = #tpu.dot_dimension_numbers<[1], [1], [0], [0], [0, 0, 1, 0], [], []>, transpose_lhs_hint = false} : vector<1024x1024xbf16>, vector<512x1024xbf16>, vector<1024x512xf32> -> vector<1024x512xf32>
    %gt3A_53 = arith.constant 0.000000e+00 : f32
    %gt3A_54 = vector.broadcast %gt3A_53 : f32 to vector<1024x512xf32>
    %gt3A_55 = arith.cmpf ogt, %dot_general3A_52, %gt3A_54 : vector<1024x512xf32>
    %convert_element_type3A_56 = arith.extui %gt3A_55 : vector<1024x512xi1> to vector<1024x512xi32>
    %convert_element_type3A_57 = arith.sitofp %convert_element_type3A_56 : vector<1024x512xi32> to vector<1024x512xf32>
    %convert_element_type3A_58 = arith.truncf %convert_element_type3A_57 : vector<1024x512xf32> to vector<1024x512xbf16>
    %swap3A = arith.constant 0 : index
    %swap3A_59 = arith.constant 0 : index
    %swap3A_60 = vector.load %arg3[%swap3A, %swap3A_59] : memref<1024x512xbf16, #tpu.memory_space<vmem>>, vector<1024x512xbf16>
    tpu.vector_store %arg3[%swap3A, %swap3A_59], %convert_element_type3A_58 {strides = array<i32>} : memref<1024x512xbf16, #tpu.memory_space<vmem>>, vector<1024x512xbf16>,
    return
  }
  func.func @transform_0(%arg0: i32) -> (i32, i32) {
    %c0_i32 = arith.constant 0 : i32
    %c0_i32_0 = arith.constant 0 : i32
    %c0_i32_1 = arith.constant 0 : i32
    return %c0_i32, %c0_i32_0 : i32, i32
  }
  func.func @transform_1(%arg0: i32) -> (i32, i32) {
    %c0_i32 = arith.constant 0 : i32
    %c0_i32_0 = arith.constant 0 : i32
    return %arg0, %c0_i32 : i32, i32
  }
  func.func @transform_2(%arg0: i32) -> (i32, i32) {
    %c0_i32 = arith.constant 0 : i32
    %c0_i32_0 = arith.constant 0 : i32
    return %c0_i32, %arg0 : i32, i32
  }
}

module attributes {stable_mosaic.version = 14 : i64} {
  func.func @_out_kernel(%arg0: i32, %arg1: memref<512x2048xbf16, #tpu.memory_space<vmem>>, %arg2: memref<512x2048xbf16, #tpu.memory_space<vmem>>, %arg3: memref<512x2048xbf16, #tpu.memory_space<vmem>>, %arg4: memref<3x2048x1000xbf16, #tpu.memory_space<vmem>>, %arg5: memref<512x1000xf32, #tpu.memory_space<vmem>>) attributes {dimension_semantics = [#tpu.dimension_semantics<parallel>], iteration_bounds = array<i64: 2>, scalar_prefetch = 0 : i64, scratch_operands = 0 : i64, tpu.core_type = #tpu.core_type<tc>, window_params = [{transform_indices = @transform_0, window_bounds = array<i64: 512, 2048>}, {transform_indices = @transform_1, window_bounds = array<i64: 512, 2048>}, {transform_indices = @transform_2, window_bounds = array<i64: 512, 2048>}, {pipeline_mode = #tpu.pipeline_mode<synchronous>, transform_indices = @transform_3, window_bounds = array<i64: 3, 2048, 1000>}, {transform_indices = @transform_4, window_bounds = array<i64: 512, 1000>}]} {
    %get3A = arith.constant 0 : index
    %get3A_0 = arith.constant 0 : index
    %get3A_1 = vector.load %arg1[%get3A, %get3A_0] : memref<512x2048xbf16, #tpu.memory_space<vmem>>, vector<512x2048xbf16>
    %get3A_2 = arith.constant 0 : index
    %get3A_3 = arith.constant 0 : index
    %get3A_4 = arith.constant 0 : index
    %get3A_5 = vector.load %arg4[%get3A_2, %get3A_3, %get3A_4] : memref<3x2048x1000xbf16, #tpu.memory_space<vmem>>, vector<1x2048x1000xbf16>
    %get3A_6 = vector.shape_cast %get3A_5 : vector<1x2048x1000xbf16> to vector<2048x1000xbf16>
    %dot_general3A = arith.constant dense<0.000000e+00> : vector<512x1000xf32>
    %dot_general3A_7 = tpu.matmul %get3A_1, %get3A_6, %dot_general3A {dimension_numbers = #tpu.dot_dimension_numbers<[1], [0], [0], [1], [0, 0, 1, 1], [], []>, transpose_lhs_hint = false} : vector<512x2048xbf16>, vector<2048x1000xbf16>, vector<512x1000xf32> -> vector<512x1000xf32>
    %get3A_8 = arith.constant 0 : index
    %get3A_9 = arith.constant 0 : index
    %get3A_10 = vector.load %arg2[%get3A_8, %get3A_9] : memref<512x2048xbf16, #tpu.memory_space<vmem>>, vector<512x2048xbf16>
    %get3A_11 = arith.constant 1 : index
    %get3A_12 = arith.constant 0 : index
    %get3A_13 = arith.constant 0 : index
    %get3A_14 = vector.load %arg4[%get3A_11, %get3A_12, %get3A_13] : memref<3x2048x1000xbf16, #tpu.memory_space<vmem>>, vector<1x2048x1000xbf16>
    %get3A_15 = vector.shape_cast %get3A_14 : vector<1x2048x1000xbf16> to vector<2048x1000xbf16>
    %dot_general3A_16 = arith.constant dense<0.000000e+00> : vector<512x1000xf32>
    %dot_general3A_17 = tpu.matmul %get3A_10, %get3A_15, %dot_general3A_16 {dimension_numbers = #tpu.dot_dimension_numbers<[1], [0], [0], [1], [0, 0, 1, 1], [], []>, transpose_lhs_hint = false} : vector<512x2048xbf16>, vector<2048x1000xbf16>, vector<512x1000xf32> -> vector<512x1000xf32>
    %add3A = arith.addf %dot_general3A_7, %dot_general3A_17 : vector<512x1000xf32>
    %get3A_18 = arith.constant 0 : index
    %get3A_19 = arith.constant 0 : index
    %get3A_20 = vector.load %arg3[%get3A_18, %get3A_19] : memref<512x2048xbf16, #tpu.memory_space<vmem>>, vector<512x2048xbf16>
    %get3A_21 = arith.constant 2 : index
    %get3A_22 = arith.constant 0 : index
    %get3A_23 = arith.constant 0 : index
    %get3A_24 = vector.load %arg4[%get3A_21, %get3A_22, %get3A_23] : memref<3x2048x1000xbf16, #tpu.memory_space<vmem>>, vector<1x2048x1000xbf16>
    %get3A_25 = vector.shape_cast %get3A_24 : vector<1x2048x1000xbf16> to vector<2048x1000xbf16>
    %dot_general3A_26 = arith.constant dense<0.000000e+00> : vector<512x1000xf32>
    %dot_general3A_27 = tpu.matmul %get3A_20, %get3A_25, %dot_general3A_26 {dimension_numbers = #tpu.dot_dimension_numbers<[1], [0], [0], [1], [0, 0, 1, 1], [], []>, transpose_lhs_hint = false} : vector<512x2048xbf16>, vector<2048x1000xbf16>, vector<512x1000xf32> -> vector<512x1000xf32>
    %add3A_28 = arith.addf %add3A, %dot_general3A_27 : vector<512x1000xf32>
    %swap3A = arith.constant 0 : index
    %swap3A_29 = arith.constant 0 : index
    %swap3A_30 = vector.load %arg5[%swap3A, %swap3A_29] : memref<512x1000xf32, #tpu.memory_space<vmem>>, vector<512x1000xf32>
    tpu.vector_store %arg5[%swap3A, %swap3A_29], %add3A_28 {strides = array<i32>} : memref<512x1000xf32, #tpu.memory_space<vmem>>, vector<512x1000xf32>,
    return
  }
  func.func @transform_0(%arg0: i32) -> (i32, i32) {
    %c0_i32 = arith.constant 0 : i32
    %c0_i32_0 = arith.constant 0 : i32
    return %arg0, %c0_i32 : i32, i32
  }
  func.func @transform_1(%arg0: i32) -> (i32, i32) {
    %c0_i32 = arith.constant 0 : i32
    %c0_i32_0 = arith.constant 0 : i32
    return %arg0, %c0_i32 : i32, i32
  }
  func.func @transform_2(%arg0: i32) -> (i32, i32) {
    %c0_i32 = arith.constant 0 : i32
    %c0_i32_0 = arith.constant 0 : i32
    return %arg0, %c0_i32 : i32, i32
  }
  func.func @transform_3(%arg0: i32) -> (i32, i32, i32) {
    %c0_i32 = arith.constant 0 : i32
    %c0_i32_0 = arith.constant 0 : i32
    %c0_i32_1 = arith.constant 0 : i32
    %c0_i32_2 = arith.constant 0 : i32
    return %c0_i32, %c0_i32_0, %c0_i32_1 : i32, i32, i32
  }
  func.func @transform_4(%arg0: i32) -> (i32, i32) {
    %c0_i32 = arith.constant 0 : i32
    %c0_i32_0 = arith.constant 0 : i32
    return %arg0, %c0_i32 : i32, i32
  }
}

</mosaic_0001>

<sc_bundles>
// kernel: kernel.10.cloned.1.call-start
scs
__scs_entry_jumppad:
0x0: {  	(pc) =	sbr.rel $0x88, $3  }
0x1: {  	(tag) =	ssettag $0x0;
	lr =	simm.s32 $0x1  }
0x2: {  	[smem:$0x3F99] =	sst lr;
	_ =	strace $0xD0000000  }
0x3: {  	_ = 	snop  }
0x4: {  	_ = 	snop  }
0x5: {  	_ = 	snop  }
0x6: {  	_ = 	snop  }
0x7: {  	_ = 	snop  }
__scs_overlays_trampoline_lowered:
0x8: {  	[smem:$0x3FA8] =	sst s0  }
0x9: {  	[smem:$0x3FA9] =	sst s1  }
0xa: {  	[smem:$0x3FAA] =	sst s2  }
0xb: {  	[smem:$0x3FAB] =	sst s3  }
0xc: {  	[smem:$0x3FAC] =	sst s4  }
0xd: {  	[smem:$0x3FAD] =	sst s5  }
0xe: {  	[smem:$0x3FAE] =	sst s6  }
0xf: {  	[smem:$0x3FAF] =	sst s7  }
0x10: {  	[smem:$0x3FB0] =	sst s8  }
0x11: {  	[smem:$0x3FB1] =	sst s9;
	s0 =	simm.s32 @!p0 $0x0  }
0x12: {  	s1 =	sld [smem:$0x3F97];
	s0 =	simm.s32 @p0 $0x1  }
0x13: {  	[smem:$0x3FB2] =	sst s0;
	s0 =	simm.s32 @!p1 $0x0  }
0x14: {  	s2 =	sld [smem:$0x3F96];
	s0 =	simm.s32 @p1 $0x1  }
0x15: {  	[smem:$0x3FB3] =	sst s0;
	s0 =	simm.s32 @!p2 $0x0  }
0x16: {  	s3 =	sld [smem:$0x3FDB];
	s0 =	simm.s32 @p2 $0x1  }
0x17: {  	s4 =	simm.s32 $0x1BF5;
	[smem:$0x3FB5] =	sst s0  }
0x18: {  	s0 =	sld [smem:$0x3F98];
	_ =	swait.ge [sflag:s4], $0x0  }
0x19: {  	s7 =	sld [smem:$0x3F99]  }
0x1a: {  	s8 =	sadd.s32 $0xFFFFE003, lr  }
0x1b: {  	s9 =	sadd.s32 $0xFFFFFEF7, lr;
	s5 =	simm.s32 $0xFFFFFFFF;
	p2 =	slt.u32 s8, $0xFFFFF086  }
0x1c: {  	p1 =	slt.u32 s9, $0xF7A;
	s5 =	simm.s32 @!p2 $0x0  }
0x1d: {  	s5 =	simm.s32 @p1 $0x1;
	p0 =	seq.s32 s7, s2  }
0x1e: {  	s7 =	smul.u32 @!p0 $0xF7A, s2;
	p2 =	seq.s32 @!p0 s5, $0x0  }
0x1f: {  	s9 =	smul.u32 $0xF7A, s1;
	s8 =	simm.s32 @!p0 $0x1BF5;
	p2 =	por !p2, p0  }
0x20: {  	[sflag:s8] =	ssyncset.s32 @!p0 $0xFFFFF086;
	s6 =	sadd.s32 @!p0 s3, s7;
	s7 =	simm.s32 @!p0 $0x108  }
0x21: {  	s3 =	sadd.s32 s3, s9;
	s6 =	sadd.s32 @!p0 $0x88, s6;
	s7 =	simm.s32 @p2 $0x1082  }
0x22: {  	[simem:s7], [sflag:s8] =	dma.local @!p0 [hbm:s6], $0xF7A  }
0x23: {  	s9 =	sor.u32 $0xD0000000, s2;
	s6 =	simm.s32 $0x108;
	_ =	swait.ge @!p0 [sflag:s8], $0x0  }
0x24: {  	s3 =	sadd.s32 $0x88, s3;
	s6 =	simm.s32 @!p1 $0x1082;
	[sflag:s4] =	ssyncset.s32 $0xFFFFF086  }
0x25: {  	[simem:s6], [sflag:s4] =	dma.local [hbm:s3], $0xF7A  }
0x26: {  	[smem:$0x3F99] =	sst s1;
	(tag) =	ssettag s2;
	_ =	strace s9  }
0x27: {  	s1 =	sld [smem:$0x3FA9]  }
0x28: {  	s2 =	sld [smem:$0x3FAA]  }
0x29: {  	s4 =	sld [smem:$0x3FAC]  }
0x2a: {  	p0 =	seq.s32 s5, $0x0;
	s5 =	sld [smem:$0x3FAD]  }
0x2b: {  	s6 =	sld [smem:$0x3FAE]  }
0x2c: {  	s7 =	sld [smem:$0x3FAF]  }
0x2d: {  	s3 =	simm.s32 $0x108;
	s8 =	sld [smem:$0x3FB0]  }
0x2e: {  	s3 =	simm.s32 @!p0 $0x1082;
	s9 =	sld [smem:$0x3FB1]  }
0x2f: {  	lr =	sadd.s32 s0, s3;
	s0 =	sld [smem:$0x3FA8]  }
0x30: {  	s3 =	sld [smem:$0x3FAB]  }
0x31: {  	[smem:$0x3FB4] =	sst s10  }
0x32: {  	s10 =	sld [smem:$0x3FB2];
	_ =	sdelay $0x3  }
0x33: {  	p0 =	seq.s32 s10, $0x1;
	s10 =	sld [smem:$0x3FB4];
	_ =	sdelay $0x3  }
0x34: {  	[smem:$0x3FB4] =	sst s10  }
0x35: {  	s10 =	sld [smem:$0x3FB3];
	_ =	sdelay $0x3  }
0x36: {  	p1 =	seq.s32 s10, $0x1;
	s10 =	sld [smem:$0x3FB4];
	_ =	sdelay $0x3  }
0x37: {  	[smem:$0x3FB4] =	sst s10  }
0x38: {  	s10 =	sld [smem:$0x3FB5]  }
0x39: {  	_ = 	snop;
	(pc) =	sbr.ind lr, $3  }
0x3a: {  	_ = 	snop  }
0x3b: {  	_ = 	snop  }
0x3c: {  	p2 =	seq.s32 s10, $0x1;
	s10 =	sld [smem:$0x3FB4]  }
0x3d: {  	_ =	shalt  }
0x3e: {  	_ =	shalt  }
0x3f: {  	_ =	shalt  }
0x40: {  	_ =	shalt  }
0x41: {  	_ =	shalt  }
0x42: {  	_ =	shalt  }
0x43: {  	_ =	shalt  }
0x44: {  	_ =	shalt  }
0x45: {  	_ =	shalt  }
0x46: {  	_ =	shalt  }
0x47: {  	_ =	shalt  }
0x48: {  	_ =	shalt  }
0x49: {  	_ =	shalt  }
0x4a: {  	_ =	shalt  }
0x4b: {  	_ =	shalt  }
0x4c: {  	_ =	shalt  }
0x4d: {  	_ =	shalt  }
0x4e: {  	_ =	shalt  }
0x4f: {  	_ =	shalt  }
0x50: {  	_ =	shalt  }
0x51: {  	_ =	shalt  }
0x52: {  	_ =	shalt  }
0x53: {  	_ =	shalt  }
0x54: {  	_ =	shalt  }
0x55: {  	_ =	shalt  }
0x56: {  	_ =	shalt  }
0x57: {  	_ =	shalt  }
0x58: {  	_ =	shalt  }
0x59: {  	_ =	shalt  }
0x5a: {  	_ =	shalt  }
0x5b: {  	_ =	shalt  }
0x5c: {  	_ =	shalt  }
0x5d: {  	_ =	shalt  }
0x5e: {  	_ =	shalt  }
0x5f: {  	_ =	shalt  }
0x60: {  	_ =	shalt  }
0x61: {  	_ =	shalt  }
0x62: {  	_ =	shalt  }
0x63: {  	_ =	shalt  }
0x64: {  	_ =	shalt  }
0x65: {  	_ =	shalt  }
0x66: {  	_ =	shalt  }
0x67: {  	_ =	shalt  }
0x68: {  	_ =	shalt  }
0x69: {  	_ =	shalt  }
0x6a: {  	_ =	shalt  }
0x6b: {  	_ =	shalt  }
0x6c: {  	_ =	shalt  }
0x6d: {  	_ =	shalt  }
0x6e: {  	_ =	shalt  }
0x6f: {  	_ =	shalt  }
0x70: {  	_ =	shalt  }
0x71: {  	_ =	shalt  }
0x72: {  	_ =	shalt  }
0x73: {  	_ =	shalt  }
0x74: {  	_ =	shalt  }
0x75: {  	_ =	shalt  }
0x76: {  	_ =	shalt  }
0x77: {  	_ =	shalt  }
0x78: {  	_ =	shalt  }
0x79: {  	_ =	shalt  }
0x7a: {  	_ =	shalt  }
0x7b: {  	_ =	shalt  }
0x7c: {  	_ =	shalt  }
0x7d: {  	_ =	shalt  }
0x7e: {  	_ =	shalt  }
0x7f: {  	_ =	shalt  }
0x80: {  	_ =	shalt  }
0x81: {  	_ =	shalt  }
0x82: {  	_ =	shalt  }
0x83: {  	_ =	shalt  }
0x84: {  	_ =	shalt  }
0x85: {  	_ =	shalt  }
0x86: {  	_ =	shalt  }
0x87: {  	_ =	shalt  }
.Lfunc_end0:
.L_simem_size_0:
called_computation_lowered:
.L_overlay_start_0:
0x88: {  	s2 =	sld [smem:$0x3FD9]  }
0x89: {  	s3 =	sld [smem:$0x3FFE];
	_ =	sdelay $0x1  }
0x8a: {  	s1 =	srdreg.scid  }
0x8b: {  	s0 =	sand.u32 $0x1, s1  }
0x8c: {  	s17 =	sshll.u32 s0, $0xA;
	s2 =	sadd.s32 s3, s2  }
0x8d: {  	s2 =	sadd.s32 s2, s17  }
0x8e: {  	[smem:$0x3FC0] =	sst s2  }
0x8f: {  	_ = 	snop  }
0x90: {  	s2 =	sld [smem:$0x3FD0];
	(tm) =	ssettm $0x1  }
0x91: {  	s18 =	sld [smem:$0x3FFB];
	_ =	sdelay $0x3  }
0x92: {  	_ =	strace s18  }
0x93: {  	s3 =	sld [smem:$0x3FFC];
	_ =	sdelay $0x3  }
0x94: {  	_ =	strace s3  }
0x95: {  	s3 =	sld [smem:$0x3FFD];
	_ =	sdelay $0x3  }
0x96: {  	_ =	strace s3  }
0x97: {  	_ =	strace $0x8FFFFFFF  }
0x98: {  	s19 =	sld [smem:$0x3FDB];
	_ =	sdelay $0x1  }
0x99: {  	s4 =	simm.s32 $_scs_section_size  }
0x9a: {  	s5 =	simm.s32 $_size__tile_overlayer_lowered;
	s6 =	simm.s32 $_tile_overlayer_lowered  }
0x9b: {  	s22 =	simm.s32 $0x1BFF;
	s21 =	sshll.u32 s6, $0x1;
	s3 =	sadd.s32 s4, s19  }
0x9c: {  	s7 =	simm.s32 $0x0;
	s20 =	sshll.u32 s5, $0x1;
	s5 =	sadd.s32 s21, s3  }
0x9d: {  	[timem:s7], [sflag:s22] =	dma.local [hbm:s5], s20  }
0x9e: {  	_ =	swait.ge [sflag:s22], s20  }
0x9f: {  	s4 =	ssub.s32 $0x0, s20;
	[sflag:s22] =	ssyncset.done $0x0  }
0xa0: {  	[sflag:s22] =	ssyncadd.s32 s4;
	_ =	sdelay $0x1  }
0xa1: {  	s23 =	simm.s32 $0x1B8B  }
0xa2: {  	_ =	swait.ge [sflag:s23], $0x1  }
0xa3: {  	[sflag:s23] =	ssyncset.done $0x0  }
0xa4: {  	s25 =	simm.s32 $0x1B8E;
	s24 =	sld [smem:$0x3FFE];
	[sflag:s23] =	ssyncadd.s32 $0xFFFFFFFF  }
0xa5: {  	s26 =	simm.s32 $execute0_lowered;
	[smem:$0x3FD2] =	sst s25  }
0xa6: {  	s5 =	sshll.u32 s26, $0x1;
	_ =	strace $0x80000046;
	[dreg:$0x1] =	wrdreg $0xFFFFFFFF  }
0xa7: {  	s28 =	simm.s32 $_size_execute0_lowered;
	s3 =	sadd.s32 s3, s5;
	[dreg:$0x0] =	wrdreg $0x0  }
0xa8: {  	s5 =	sshll.u32 s28, $0x1;
	[dreg:$0x2] =	wrdreg s3  }
0xa9: {  	[dreg:$0x3] =	wrdreg s5  }
0xaa: {  	[dreg:$0x4] =	wrdreg $0xC0  }
0xab: {  	_ =	task [dreg:s7], $0x5FFFF  }
0xac: {  	[dreg:$0x1] =	wrdreg $0xFFFFFFFF  }
0xad: {  	[dreg:$0x0] =	wrdreg $0x60  }
0xae: {  	[dreg:$0x2] =	wrdreg s2  }
0xaf: {  	[dreg:$0x3] =	wrdreg s24  }
0xb0: {  	[dreg:$0x4] =	wrdreg $0x9  }
0xb1: {  	_ =	task.clear_ibuf [dreg:s7], $0x5FFFF;
	_ =	strace $0x90000046  }
0xb2: {  	s29 =	simm.s32 $0x9;
	_ =	strace $0x80000048  }
0xb3: {  	_ =	swait.ge [sflag:s29], $0x1  }
0xb4: {  	[sflag:s29] =	ssyncadd.s32 $0xFFFFFFFF  }
0xb5: {  	_ =	strace $0x90000048  }
0xb6: {  	_ =	sfence  }
0xb7: {  	s30 =	sld [smem:$0x0];
	_ =	sdelay $0x2  }
0xb8: {  	s31 =	sshll.u32 s1, $0xD;
	s1 =	sshrl.u32 s1, $0x2  }
0xb9: {  	s3 =	sand.u32 $0x4000, s31;
	s1 =	sadd.s32 s1, s30  }
0xba: {  	s0 =	sor.u32 s3, s0;
	s1 =	sshll.u32 s1, $0x11  }
0xbb: {  	s0 =	sor.u32 s1, s0  }
0xbc: {  	s0 =	sadd.s32 $0x8F2B, s0  }
0xbd: {  	[sflag:s0] =	ssyncadd.remote.s32 $0x1  }
0xbe: {  	_ =	sfence.sel $0xFFFF  }
0xbf: {  	[dreg:$0x0] =	wrdreg $0xFFFFFFFF;
	(pc) =	sbr.abs _section_cstart, $3  }
0xc0: {  	[dreg:$0x1] =	wrdreg $0xFFFFFFFF  }
0xc1: {  	_ =	task.clear_ibuf [dreg:s7], $0x2FFFF;
	_ =	strace $0x9FFFFFFF  }
0xc2: {  	(tm) =	ssettm $0x7FFFFFFF  }
0xc3: {  	_ =	shalt  }
tec
execute0_lowered:
.L_overlay_start_1:
0x0: {  	(tag) =	ssettag $0x1  }
0x1: {  	s3 =	rddreg [dreg:$0x0]  }
0x2: {  	s4 =	rddreg [dreg:$0x1]  }
0x3: {  	s0 =	rddreg [dreg:$0x2]  }
0x4: {  	s5 =	srdreg.scid;
	s2 =	simm.s32 $0x0;
	s1 =	stileid.u32  }
0x5: {  	s10 =	simm.s32 $0x0;
	s5 =	sand.u32 $0x1, s5;
	[smem:$0x7FF] =	sst s2  }
0x6: {  	s6 =	sshll.u32 s1, $0x7;
	s7 =	sshll.u32 s5, $0x6;
	s5 =	ssub.s32 $0x2, s5  }
0x7: {  	_ =	strace $0x80000047;
	s6 =	sor.u32 s7, s6;
	s31 =	sshrl.u32 s5, $0x1  }
0x8: {  	s7 =	sshll.u32 s6, $0x4;
	s6 =	sshll.u32 s6, $0x7;
	s9 =	ssub.s32 s5, s31  }
0x9: {  	s8 =	sadd.s32 s7, s4;
	s6 =	sadd.s32 s6, s4;
	s3 =	sadd.s32 s3, s7  }
0xa: {  	s7 =	simm.s32 $0x10000;
	s4 =	sadd.s32 $0x3200, s8;
	s5 =	sadd.s32 $0xB200, s6  }
0xb: {  	v0 =	vimm.f32 $0.0e+00;
	s6 =	smax.u32 s9, $0x1;
	s8 =	simm.s32 $0x1;
	s9 =	simm.s32 $0x12000  }
.LBB2_1:
0xc: {  	s11 =	sand.u32 $0x7000, s2;
	s12 =	simm.s32 $0x0  }
0xd: {  	s13 =	simm.s32 $0x0;
	s12 =	sand.u32 $0xE000, s12;
	s11 =	sshrl.u32 s11, $0x2  }
0xe: {  	s13 =	sand.u32 $0x380, s13;
	s11 =	sor.u32 s11, s12  }
0xf: {  	s11 =	sor.u32 s13, s11  }
0x10: {  	[tilespmem:s11+$0x70] =	vst v0  }
0x11: {  	[tilespmem:s11+$0x0] =	vst v0  }
0x12: {  	[tilespmem:s11+$0x10] =	vst v0  }
0x13: {  	s14 =	simm.s32 $0x10;
	s12 =	simm.s32 $0x1000;
	[tilespmem:s11+$0x20] =	vst v0  }
0x14: {  	s16 =	simm.s32 $0x80;
	s15 =	sand.u32 $0x7000, s12;
	s13 =	simm.s32 $0x2;
	[tilespmem:s11+$0x30] =	vst v0  }
.LBB2_2:
0x15: {  	p0 =	sne.s32 s13, $0x1FF;
	s16 =	sand.u32 $0xE000, s16;
	s15 =	sshrl.u32 s15, $0x2;
	[tilespmem:s11+$0x40] =	vst v0  }
0x16: {  	s14 =	sand.u32 $0x380, s14;
	s15 =	sor.u32 s15, s16;
	[tilespmem:s11+$0x50] =	vst v0  }
0x17: {  	[tilespmem:s11+$0x60] =	vst v0;
	s11 =	sor.u32 s14, s15  }
.Ltmp0:
0x18: {  	[tilespmem:s11+$0x70] =	vst v0;
	(pc) =	sbr.rel @p0 .LBB2_2-.Ltmp0, $4  }
0x19: {  	[tilespmem:s11+$0x0] =	vst v0  }
0x1a: {  	[tilespmem:s11+$0x10] =	vst v0  }
0x1b: {  	s12 =	sadd.s32 $0x1000, s12;
	s14 =	sshll.u32 s13, $0x4;
	[tilespmem:s11+$0x20] =	vst v0  }
0x1c: {  	s16 =	sshll.u32 s13, $0x7;
	s15 =	sand.u32 $0x7000, s12;
	s13 =	sadd.s32 $0x1, s13;
	[tilespmem:s11+$0x30] =	vst v0  }
0x1d: {  	s12 =	sand.u32 $0xE000, s16;
	s13 =	sshrl.u32 s15, $0x2;
	[tilespmem:s11+$0x40] =	vst v0  }
0x1e: {  	s14 =	sand.u32 $0x380, s14;
	[tilespmem:s11+$0x50] =	vst v0;
	s12 =	sor.u32 s13, s12  }
0x1f: {  	[tilespmem:s11+$0x60] =	vst v0;
	s12 =	sor.u32 s14, s12  }
0x20: {  	[tilespmem:s12+$0x70] =	vst v0  }
0x21: {  	[tilespmem:s12+$0x0] =	vst v0  }
0x22: {  	[tilespmem:s12+$0x10] =	vst v0  }
0x23: {  	[tilespmem:s12+$0x20] =	vst v0  }
0x24: {  	[tilespmem:s12+$0x30] =	vst v0  }
0x25: {  	[tilespmem:s12+$0x40] =	vst v0  }
0x26: {  	[tilespmem:s12+$0x50] =	vst v0  }
0x27: {  	s29 =	simm.s32 $0x0;
	[tilespmem:s12+$0x60] =	vst v0  }
0x28: {  	[tilespmem:s7], [sflag:$0x1] =	stream.linear.gather [hbm4b:s3+s29], $0x2000, $0x38;
	[tilespmem:$0x14000] =	vst v63  }
0x29: {  	_ =	swait.ge [sflag:s8], $0x2000  }
0x2a: {  	[sflag:s8] =	ssyncset.done $0x0  }
0x2b: {  	[sflag:s8] =	ssyncadd.s32 $0xFFFFE000  }
0x2c: {  	[tilespmem:s9], [sflag:$0x1] =	stream.linear.gather [hbm4b:s4+s29], $0x2000, $0x38;
	[tilespmem:$0x14000] =	vst v63  }
0x2d: {  	_ =	swait.ge [sflag:s8], $0x2000  }
0x2e: {  	s30 =	simm.s32 $0x0;
	s11 =	sand.u32 $0x10, s29;
	[sflag:s8] =	ssyncset.done $0x0  }
0x2f: {  	s11 =	sor.u32 s11, s30;
	[sflag:s8] =	ssyncadd.s32 $0xFFFFE000  }
0x30: {  	v1 =	vld [tilespmem:s11+$0x10000];
	_ =	sdelay $0x4  }
0x31: {  	v2 =	vshll.u32 v1, $0x7  }
0x32: {  	s31 =	simm.s32 $0x0;
	v1 =	vshra.s32 v1, $0x3;
	v2 =	vand.u32 $0x380, v2  }
0x33: {  	v3 =	vmov s31;
	v2 =	vadd.s32 v1, v2  }
0x34: {  	v4 =	vshll.u32 v3, $0xA;
	v2 =	vshll.u32 v2, $0x3  }
0x35: {  	v3 =	vshll.u32 v3, $0x7;
	v4 =	vand.u32 $0xE000, v4;
	v2 =	vand.u32 $0xFFFFFC00, v2  }
0x36: {  	v3 =	vand.u32 $0x380, v3;
	v2 =	vadd.s32 v4, v2  }
0x37: {  	v63 =	vand.u32 $0x7F, v1;
	v2 =	vor.u32 v3, v2  }
0x38: {  	v1 =	vld [tilespmem:s11+$0x12000];
	v2 =	vor.u32 v63, v2;
	_ =	sdelay $0x2  }
0x39: {  	s13 =	simm.s32 $0x0;
	s12 =	simm.s32 $0x2;
	s11 =	simm.s32 $0x10  }
.LBB2_4:
0x3a: {  	p0 =	sne.s32 s12, $0x7F;
	s14 =	sand.u32 $0x10, s11;
	s15 =	sshll.u32 s13, $0x7  }
0x3b: {  	s14 =	sor.u32 s14, s15;
	[tilespmem:v2+s2+$0x0] =	vst.idx.add.f32.msk $0xffff, v1  }
0x3c: {  	v1 =	vld [tilespmem:s14+$0x10000];
	_ =	sdelay $0x4  }
0x3d: {  	v2 =	vshll.u32 v1, $0x7  }
0x3e: {  	v1 =	vshra.s32 v1, $0x3;
	v2 =	vand.u32 $0x380, v2  }
0x3f: {  	v3 =	vmov s13;
	v2 =	vadd.s32 v1, v2  }
0x40: {  	v4 =	vshll.u32 v3, $0xA;
	v2 =	vshll.u32 v2, $0x3  }
0x41: {  	v3 =	vshll.u32 v3, $0x7;
	v4 =	vand.u32 $0xE000, v4;
	v2 =	vand.u32 $0xFFFFFC00, v2  }
0x42: {  	v3 =	vand.u32 $0x380, v3;
	v2 =	vadd.s32 v4, v2  }
.Ltmp1:
0x43: {  	v4 =	vand.u32 $0x7F, v1;
	v2 =	vor.u32 v3, v2;
	(pc) =	sbr.rel @p0 .LBB2_4-.Ltmp1, $2  }
0x44: {  	v1 =	vld [tilespmem:s14+$0x12000];
	v2 =	vor.u32 v4, v2;
	_ =	sdelay $0x2  }
0x45: {  	s13 =	sshrl.u32 s12, $0x1;
	s12 =	sadd.s32 $0x1, s12;
	s11 =	sadd.s32 $0x10, s11  }
0x46: {  	_ =	sdelay $0x2  }
0x47: {  	s11 =	sand.u32 $0x10, s11;
	s12 =	sshll.u32 s13, $0x7  }
0x48: {  	s11 =	sor.u32 s11, s12;
	[tilespmem:v2+s2+$0x0] =	vst.idx.add.f32.msk $0xffff, v1  }
0x49: {  	v1 =	vld [tilespmem:s11+$0x10000];
	_ =	sdelay $0x4  }
0x4a: {  	v2 =	vshll.u32 v1, $0x7  }
0x4b: {  	v1 =	vshra.s32 v1, $0x3;
	v2 =	vand.u32 $0x380, v2  }
0x4c: {  	v3 =	vmov s13;
	v2 =	vadd.s32 v1, v2  }
0x4d: {  	v4 =	vshll.u32 v3, $0xA;
	v2 =	vshll.u32 v2, $0x3  }
0x4e: {  	v3 =	vshll.u32 v3, $0x7;
	v4 =	vand.u32 $0xE000, v4;
	v2 =	vand.u32 $0xFFFFFC00, v2  }
0x4f: {  	v3 =	vand.u32 $0x380, v3;
	v2 =	vadd.s32 v4, v2  }
0x50: {  	v1 =	vand.u32 $0x7F, v1;
	v2 =	vor.u32 v3, v2  }
0x51: {  	v3 =	vld [tilespmem:s11+$0x12000];
	v1 =	vor.u32 v1, v2;
	_ =	sdelay $0x2  }
0x52: {  	s10 =	sadd.s32 $0x1, s10  }
0x53: {  	p0 =	sne.s32 s10, s6  }
.Ltmp2:
0x54: {  	[tilespmem:v1+s2+$0x0] =	vst.idx.add.f32.msk $0xffff, v3;
	(pc) =	sbr.rel @p0 .LBB2_1-.Ltmp2, $4  }
0x55: {  	[hbm4b:s5+s2] =	stream.linear.scatter [tilespmem:s2], [sflag:$0x1], $0x10000, $0x38;
	[tilespmem:$0x14000] =	vst v63  }
0x56: {  	_ =	swait.ge [sflag:s8], $0x10000  }
0x57: {  	[sflag:s8] =	ssyncset.done $0x0  }
0x58: {  	[sflag:s8] =	ssyncadd.s32 $0xFFFF0000  }
0x59: {  	_ =	sfence.sel $0x180000  }
0x5a: {  	[bflag:$0x0] =	sbarrier.arrive $0xFFFF  }
0x5b: {  	p0 =	sne.s32 s1, $0x0;
	_ =	strace $0x90000047  }
0x5c: {  	s0 =	sadd.s32 @!p0 $0x100000, s0;
	[bflag:$0x2] =	sbarrier.arrive $0xFFFF  }
0x5d: {  	[sflag:s0] =	ssyncadd.tile.s32 @!p0 $0x1;
	_ =	shalt  }
.Lfunc_end2:
_tile_overlayer_lowered:
.L_overlay_start_2:
0x5e: {  	(tag) =	ssettag $0x2  }
0x5f: {  	s0 =	rddreg [dreg:$0x0];
	s2 =	stileid.u32  }
0x60: {  	s1 =	rddreg [dreg:$0x1];
	p0 =	sne.s32 s2, $0x0  }
0x61: {  	s3 =	rddreg [dreg:$0x2];
	[bflag:$0x3] =	sbarrier.arrive $0xFFFF;
	s2 =	simm.s32 @!p0 $0x1C01  }
0x62: {  	[timem:s3], [sflag:s2] =	dma.local @!p0 [hbm:s0], s1  }
0x63: {  	s0 =	simm.s32 @!p0 $0x1  }
0x64: {  	_ =	swait.ge @!p0 [sflag:s0], s1  }
0x65: {  	s1 =	ssub.s32 @!p0 $0x0, s1;
	[sflag:s0] =	ssyncset.done @!p0 $0x0  }
0x66: {  	[sflag:s0] =	ssyncadd.s32 @!p0 s1  }
0x67: {  	[bflag:$0x3] =	sbarrier.arrive $0xFFFF  }
0x68: {  	_ =	shalt  }

// kernel: kernel.13.cloned.1.call-start
scs
__scs_entry_jumppad:
0x0: {  	(pc) =	sbr.rel $0x88, $3  }
0x1: {  	(tag) =	ssettag $0x0;
	lr =	simm.s32 $0x1  }
0x2: {  	[smem:$0x3F99] =	sst lr;
	_ =	strace $0xD0000000  }
0x3: {  	_ = 	snop  }
0x4: {  	_ = 	snop  }
0x5: {  	_ = 	snop  }
0x6: {  	_ = 	snop  }
0x7: {  	_ = 	snop  }
__scs_overlays_trampoline_lowered:
0x8: {  	[smem:$0x3FA8] =	sst s0  }
0x9: {  	[smem:$0x3FA9] =	sst s1  }
0xa: {  	[smem:$0x3FAA] =	sst s2  }
0xb: {  	[smem:$0x3FAB] =	sst s3  }
0xc: {  	[smem:$0x3FAC] =	sst s4  }
0xd: {  	[smem:$0x3FAD] =	sst s5  }
0xe: {  	[smem:$0x3FAE] =	sst s6  }
0xf: {  	[smem:$0x3FAF] =	sst s7  }
0x10: {  	[smem:$0x3FB0] =	sst s8  }
0x11: {  	[smem:$0x3FB1] =	sst s9;
	s0 =	simm.s32 @!p0 $0x0  }
0x12: {  	s1 =	sld [smem:$0x3F97];
	s0 =	simm.s32 @p0 $0x1  }
0x13: {  	[smem:$0x3FB2] =	sst s0;
	s0 =	simm.s32 @!p1 $0x0  }
0x14: {  	s2 =	sld [smem:$0x3F96];
	s0 =	simm.s32 @p1 $0x1  }
0x15: {  	[smem:$0x3FB3] =	sst s0;
	s0 =	simm.s32 @!p2 $0x0  }
0x16: {  	s3 =	sld [smem:$0x3FDB];
	s0 =	simm.s32 @p2 $0x1  }
0x17: {  	s4 =	simm.s32 $0x1BF5;
	[smem:$0x3FB5] =	sst s0  }
0x18: {  	s0 =	sld [smem:$0x3F98];
	_ =	swait.ge [sflag:s4], $0x0  }
0x19: {  	s7 =	sld [smem:$0x3F99]  }
0x1a: {  	s8 =	sadd.s32 $0xFFFFE003, lr  }
0x1b: {  	s9 =	sadd.s32 $0xFFFFFEF7, lr;
	s5 =	simm.s32 $0xFFFFFFFF;
	p2 =	slt.u32 s8, $0xFFFFF086  }
0x1c: {  	p1 =	slt.u32 s9, $0xF7A;
	s5 =	simm.s32 @!p2 $0x0  }
0x1d: {  	s5 =	simm.s32 @p1 $0x1;
	p0 =	seq.s32 s7, s2  }
0x1e: {  	s7 =	smul.u32 @!p0 $0xF7A, s2;
	p2 =	seq.s32 @!p0 s5, $0x0  }
0x1f: {  	s9 =	smul.u32 $0xF7A, s1;
	s8 =	simm.s32 @!p0 $0x1BF5;
	p2 =	por !p2, p0  }
0x20: {  	[sflag:s8] =	ssyncset.s32 @!p0 $0xFFFFF086;
	s6 =	sadd.s32 @!p0 s3, s7;
	s7 =	simm.s32 @!p0 $0x108  }
0x21: {  	s3 =	sadd.s32 s3, s9;
	s6 =	sadd.s32 @!p0 $0x88, s6;
	s7 =	simm.s32 @p2 $0x1082  }
0x22: {  	[simem:s7], [sflag:s8] =	dma.local @!p0 [hbm:s6], $0xF7A  }
0x23: {  	s9 =	sor.u32 $0xD0000000, s2;
	s6 =	simm.s32 $0x108;
	_ =	swait.ge @!p0 [sflag:s8], $0x0  }
0x24: {  	s3 =	sadd.s32 $0x88, s3;
	s6 =	simm.s32 @!p1 $0x1082;
	[sflag:s4] =	ssyncset.s32 $0xFFFFF086  }
0x25: {  	[simem:s6], [sflag:s4] =	dma.local [hbm:s3], $0xF7A  }
0x26: {  	[smem:$0x3F99] =	sst s1;
	(tag) =	ssettag s2;
	_ =	strace s9  }
0x27: {  	s1 =	sld [smem:$0x3FA9]  }
0x28: {  	s2 =	sld [smem:$0x3FAA]  }
0x29: {  	s4 =	sld [smem:$0x3FAC]  }
0x2a: {  	p0 =	seq.s32 s5, $0x0;
	s5 =	sld [smem:$0x3FAD]  }
0x2b: {  	s6 =	sld [smem:$0x3FAE]  }
0x2c: {  	s7 =	sld [smem:$0x3FAF]  }
0x2d: {  	s3 =	simm.s32 $0x108;
	s8 =	sld [smem:$0x3FB0]  }
0x2e: {  	s3 =	simm.s32 @!p0 $0x1082;
	s9 =	sld [smem:$0x3FB1]  }
0x2f: {  	lr =	sadd.s32 s0, s3;
	s0 =	sld [smem:$0x3FA8]  }
0x30: {  	s3 =	sld [smem:$0x3FAB]  }
0x31: {  	[smem:$0x3FB4] =	sst s10  }
0x32: {  	s10 =	sld [smem:$0x3FB2];
	_ =	sdelay $0x3  }
0x33: {  	p0 =	seq.s32 s10, $0x1;
	s10 =	sld [smem:$0x3FB4];
	_ =	sdelay $0x3  }
0x34: {  	[smem:$0x3FB4] =	sst s10  }
0x35: {  	s10 =	sld [smem:$0x3FB3];
	_ =	sdelay $0x3  }
0x36: {  	p1 =	seq.s32 s10, $0x1;
	s10 =	sld [smem:$0x3FB4];
	_ =	sdelay $0x3  }
0x37: {  	[smem:$0x3FB4] =	sst s10  }
0x38: {  	s10 =	sld [smem:$0x3FB5]  }
0x39: {  	_ = 	snop;
	(pc) =	sbr.ind lr, $3  }
0x3a: {  	_ = 	snop  }
0x3b: {  	_ = 	snop  }
0x3c: {  	p2 =	seq.s32 s10, $0x1;
	s10 =	sld [smem:$0x3FB4]  }
0x3d: {  	_ =	shalt  }
0x3e: {  	_ =	shalt  }
0x3f: {  	_ =	shalt  }
0x40: {  	_ =	shalt  }
0x41: {  	_ =	shalt  }
0x42: {  	_ =	shalt  }
0x43: {  	_ =	shalt  }
0x44: {  	_ =	shalt  }
0x45: {  	_ =	shalt  }
0x46: {  	_ =	shalt  }
0x47: {  	_ =	shalt  }
0x48: {  	_ =	shalt  }
0x49: {  	_ =	shalt  }
0x4a: {  	_ =	shalt  }
0x4b: {  	_ =	shalt  }
0x4c: {  	_ =	shalt  }
0x4d: {  	_ =	shalt  }
0x4e: {  	_ =	shalt  }
0x4f: {  	_ =	shalt  }
0x50: {  	_ =	shalt  }
0x51: {  	_ =	shalt  }
0x52: {  	_ =	shalt  }
0x53: {  	_ =	shalt  }
0x54: {  	_ =	shalt  }
0x55: {  	_ =	shalt  }
0x56: {  	_ =	shalt  }
0x57: {  	_ =	shalt  }
0x58: {  	_ =	shalt  }
0x59: {  	_ =	shalt  }
0x5a: {  	_ =	shalt  }
0x5b: {  	_ =	shalt  }
0x5c: {  	_ =	shalt  }
0x5d: {  	_ =	shalt  }
0x5e: {  	_ =	shalt  }
0x5f: {  	_ =	shalt  }
0x60: {  	_ =	shalt  }
0x61: {  	_ =	shalt  }
0x62: {  	_ =	shalt  }
0x63: {  	_ =	shalt  }
0x64: {  	_ =	shalt  }
0x65: {  	_ =	shalt  }
0x66: {  	_ =	shalt  }
0x67: {  	_ =	shalt  }
0x68: {  	_ =	shalt  }
0x69: {  	_ =	shalt  }
0x6a: {  	_ =	shalt  }
0x6b: {  	_ =	shalt  }
0x6c: {  	_ =	shalt  }
0x6d: {  	_ =	shalt  }
0x6e: {  	_ =	shalt  }
0x6f: {  	_ =	shalt  }
0x70: {  	_ =	shalt  }
0x71: {  	_ =	shalt  }
0x72: {  	_ =	shalt  }
0x73: {  	_ =	shalt  }
0x74: {  	_ =	shalt  }
0x75: {  	_ =	shalt  }
0x76: {  	_ =	shalt  }
0x77: {  	_ =	shalt  }
0x78: {  	_ =	shalt  }
0x79: {  	_ =	shalt  }
0x7a: {  	_ =	shalt  }
0x7b: {  	_ =	shalt  }
0x7c: {  	_ =	shalt  }
0x7d: {  	_ =	shalt  }
0x7e: {  	_ =	shalt  }
0x7f: {  	_ =	shalt  }
0x80: {  	_ =	shalt  }
0x81: {  	_ =	shalt  }
0x82: {  	_ =	shalt  }
0x83: {  	_ =	shalt  }
0x84: {  	_ =	shalt  }
0x85: {  	_ =	shalt  }
0x86: {  	_ =	shalt  }
0x87: {  	_ =	shalt  }
.Lfunc_end0:
.L_simem_size_0:
called_computation.1_lowered:
.L_overlay_start_0:
0x88: {  	s2 =	sld [smem:$0x3FD9]  }
0x89: {  	s3 =	sld [smem:$0x3FFE];
	_ =	sdelay $0x1  }
0x8a: {  	s1 =	srdreg.scid  }
0x8b: {  	s0 =	sand.u32 $0x1, s1  }
0x8c: {  	s17 =	sshll.u32 s0, $0xA;
	s2 =	sadd.s32 s3, s2  }
0x8d: {  	s2 =	sadd.s32 s2, s17  }
0x8e: {  	[smem:$0x3FC0] =	sst s2  }
0x8f: {  	_ = 	snop  }
0x90: {  	(tm) =	ssettm $0x1  }
0x91: {  	s18 =	sld [smem:$0x3FFB];
	_ =	sdelay $0x3  }
0x92: {  	_ =	strace s18  }
0x93: {  	s2 =	sld [smem:$0x3FFC];
	_ =	sdelay $0x3  }
0x94: {  	_ =	strace s2  }
0x95: {  	s2 =	sld [smem:$0x3FFD];
	_ =	sdelay $0x3  }
0x96: {  	_ =	strace s2  }
0x97: {  	_ =	strace $0x8FFFFFFF  }
0x98: {  	s19 =	sld [smem:$0x3FDB];
	_ =	sdelay $0x1  }
0x99: {  	s20 =	simm.s32 $_scs_section_size  }
0x9a: {  	s4 =	simm.s32 $_size__tile_overlayer_lowered;
	s5 =	simm.s32 $_tile_overlayer_lowered  }
0x9b: {  	s6 =	simm.s32 $0x1BFF;
	s21 =	sshll.u32 s5, $0x1;
	s3 =	sadd.s32 s20, s19  }
0x9c: {  	s22 =	simm.s32 $0x0;
	s4 =	sshll.u32 s4, $0x1;
	s5 =	sadd.s32 s21, s3  }
0x9d: {  	[timem:s22], [sflag:s6] =	dma.local [hbm:s5], s4  }
0x9e: {  	_ =	swait.ge [sflag:s6], s4  }
0x9f: {  	s4 =	ssub.s32 $0x0, s4;
	[sflag:s6] =	ssyncset.done $0x0  }
0xa0: {  	[sflag:s6] =	ssyncadd.s32 s4;
	_ =	sdelay $0x1  }
0xa1: {  	s23 =	simm.s32 $0x1B8B  }
0xa2: {  	_ =	swait.ge [sflag:s23], $0x1  }
0xa3: {  	[sflag:s23] =	ssyncset.done $0x0  }
0xa4: {  	[sflag:s23] =	ssyncadd.s32 $0xFFFFFFFF  }
0xa5: {  	s4 =	sld [smem:$0x0]  }
0xa6: {  	s5 =	sand.u32 $0xFFFFFFFE, s1  }
0xa7: {  	p0 =	sne.s32 s1, s5  }
0xa8: {  	s5 =	sshll.u32 @p0 s5, $0xE  }
0xa9: {  	s5 =	sadd.s32 @p0 $0x11B8D, s5;
	s6 =	sshll.u32 @p0 s4, $0x11  }
0xaa: {  	s5 =	sor.u32 @p0 s6, s5  }
0xab: {  	[sflag:s5] =	ssyncadd.remote.s32 @p0 $0x1;
	_ =	sdelay $0x1  }
0xac: {  	s5 =	simm.s32 @p0 $0x1B8D  }
0xad: {  	_ =	swait.eq @p0 [sflag:s5], $0x1  }
0xae: {  	[sflag:s5] =	ssyncadd.s32 @p0 $0xFFFFFFFF  }
0xaf: {  	s6 =	sshll.u32 @!p0 s1, $0xE  }
0xb0: {  	s6 =	sor.u32 @!p0 $0x4000, s6;
	s5 =	simm.s32 @!p0 $0x1B8D  }
0xb1: {  	s4 =	sshll.u32 @!p0 s4, $0x11;
	s6 =	sadd.s32 @!p0 $0x11B8D, s6;
	_ =	swait.eq @!p0 [sflag:s5], $0x1  }
0xb2: {  	s4 =	sor.u32 @!p0 s4, s6;
	[sflag:s5] =	ssyncadd.s32 @!p0 $0xFFFFFFFF  }
0xb3: {  	s25 =	simm.s32 $0x1B8E;
	s24 =	sld [smem:$0x3FFE];
	[sflag:s4] =	ssyncadd.remote.s32 @!p0 $0x1  }
0xb4: {  	s26 =	simm.s32 $execute0_lowered;
	[smem:$0x3FD2] =	sst s25  }
0xb5: {  	s5 =	sshll.u32 s26, $0x1;
	_ =	strace $0x80000049;
	[dreg:$0x1] =	wrdreg $0xFFFFFFFF  }
0xb6: {  	s28 =	simm.s32 $_size_execute0_lowered;
	s3 =	sadd.s32 s3, s5;
	[dreg:$0x0] =	wrdreg $0x0  }
0xb7: {  	s5 =	sshll.u32 s28, $0x1;
	[dreg:$0x2] =	wrdreg s3  }
0xb8: {  	[dreg:$0x3] =	wrdreg s5  }
0xb9: {  	[dreg:$0x4] =	wrdreg $0xC0  }
0xba: {  	_ =	task [dreg:s22], $0x5FFFF  }
0xbb: {  	[dreg:$0x1] =	wrdreg $0xFFFFFFFF  }
0xbc: {  	[dreg:$0x0] =	wrdreg $0x60  }
0xbd: {  	[dreg:$0x2] =	wrdreg s24  }
0xbe: {  	[dreg:$0x3] =	wrdreg $0xA  }
0xbf: {  	_ =	task.clear_ibuf [dreg:s22], $0x4FFFF;
	_ =	strace $0x90000049  }
0xc0: {  	s29 =	simm.s32 $0xA;
	_ =	strace $0x8000004B  }
0xc1: {  	_ =	swait.ge [sflag:s29], $0x1  }
0xc2: {  	[sflag:s29] =	ssyncadd.s32 $0xFFFFFFFF  }
0xc3: {  	_ =	strace $0x9000004B  }
0xc4: {  	_ =	sfence  }
0xc5: {  	s30 =	sld [smem:$0x0];
	_ =	sdelay $0x2  }
0xc6: {  	s31 =	sshll.u32 s1, $0xD;
	s1 =	sshrl.u32 s1, $0x2  }
0xc7: {  	s4 =	sand.u32 $0x4000, s31;
	s1 =	sadd.s32 s1, s30  }
0xc8: {  	s0 =	sor.u32 s4, s0;
	s1 =	sshll.u32 s1, $0x11  }
0xc9: {  	s0 =	sor.u32 s1, s0  }
0xca: {  	s0 =	sadd.s32 $0x8F2B, s0  }
0xcb: {  	[sflag:s0] =	ssyncadd.remote.s32 $0x1  }
0xcc: {  	_ =	sfence.sel $0xFFFF  }
0xcd: {  	[dreg:$0x0] =	wrdreg $0xFFFFFFFF;
	(pc) =	sbr.abs _section_cstart, $3  }
0xce: {  	[dreg:$0x1] =	wrdreg $0xFFFFFFFF  }
0xcf: {  	_ =	task.clear_ibuf [dreg:s22], $0x2FFFF;
	_ =	strace $0x9FFFFFFF  }
0xd0: {  	(tm) =	ssettm $0x7FFFFFFF  }
0xd1: {  	_ =	shalt  }
tec
execute0_lowered:
.L_overlay_start_1:
0x0: {  	(tag) =	ssettag $0x1  }
0x1: {  	s3 =	rddreg [dreg:$0x0]  }
0x2: {  	s0 =	rddreg [dreg:$0x1];
	s1 =	simm.s32 $0x0;
	s4 =	srdreg.scid  }
0x3: {  	s2 =	stileid.u32;
	s12 =	simm.s32 $0x12000;
	s13 =	simm.s32 $0x0  }
0x4: {  	[smem:$0x7FF] =	sst s1;
	s6 =	sadd.s32 $0x4B200, s3;
	s4 =	sand.u32 $0x1, s4  }
0x5: {  	s7 =	sadd.s32 $0x53200, s3;
	s8 =	sshll.u32 s2, $0x7;
	s5 =	ssub.s32 $0x2, s4  }
0x6: {  	s9 =	sadd.s32 $0x5B200, s3;
	s4 =	sshll.u32 s4, $0x6;
	s29 =	sshrl.u32 s5, $0x1  }
0x7: {  	_ =	strace $0x8000004A;
	s4 =	sor.u32 s4, s8;
	s10 =	ssub.s32 s5, s29  }
0x8: {  	s30 =	sshll.u32 s4, $0x4;
	s8 =	sshrl.u32 s4, $0x3;
	s11 =	sshll.u32 s4, $0x8  }
0x9: {  	s3 =	sadd.s32 s6, s30;
	s8 =	sor.u32 $0x4, s8;
	s4 =	sadd.s32 s7, s30  }
0xa: {  	s5 =	sadd.s32 s9, s11;
	s11 =	simm.s32 $0x1;
	s31 =	sshll.u32 s8, $0x7  }
0xb: {  	s8 =	sshll.u32 s8, $0xB;
	s6 =	sadd.s32 s6, s31;
	s7 =	sadd.s32 s7, s31  }
0xc: {  	v0 =	vimm.f32 $0.0e+00;
	s8 =	sadd.s32 s9, s8;
	s9 =	smax.u32 s10, $0x1;
	s10 =	simm.s32 $0x10000  }
.LBB2_1:
0xd: {  	s14 =	sand.u32 $0xF000, s1;
	s15 =	simm.s32 $0x0  }
0xe: {  	s16 =	simm.s32 $0x0;
	s15 =	sand.u32 $0xC000, s15;
	s14 =	sshrl.u32 s14, $0x2  }
0xf: {  	s16 =	sand.u32 $0x380, s16;
	s14 =	sor.u32 s14, s15  }
0x10: {  	s14 =	sor.u32 s16, s14  }
0x11: {  	[tilespmem:s14+$0x70] =	vst v0  }
0x12: {  	[tilespmem:s14+$0x0] =	vst v0  }
0x13: {  	[tilespmem:s14+$0x10] =	vst v0  }
0x14: {  	s17 =	simm.s32 $0x8;
	s15 =	simm.s32 $0x1000;
	[tilespmem:s14+$0x20] =	vst v0  }
0x15: {  	s19 =	simm.s32 $0x80;
	s18 =	sand.u32 $0xF000, s15;
	s16 =	simm.s32 $0x2;
	[tilespmem:s14+$0x30] =	vst v0  }
.LBB2_2:
0x16: {  	p0 =	sne.s32 s16, $0x1FF;
	s19 =	sand.u32 $0xC000, s19;
	s18 =	sshrl.u32 s18, $0x2;
	[tilespmem:s14+$0x40] =	vst v0  }
0x17: {  	s17 =	sand.u32 $0x380, s17;
	s18 =	sor.u32 s18, s19;
	[tilespmem:s14+$0x50] =	vst v0  }
0x18: {  	[tilespmem:s14+$0x60] =	vst v0;
	s14 =	sor.u32 s17, s18  }
.Ltmp0:
0x19: {  	[tilespmem:s14+$0x70] =	vst v0;
	(pc) =	sbr.rel @p0 .LBB2_2-.Ltmp0, $4  }
0x1a: {  	[tilespmem:s14+$0x0] =	vst v0  }
0x1b: {  	[tilespmem:s14+$0x10] =	vst v0  }
0x1c: {  	s15 =	sadd.s32 $0x1000, s15;
	s17 =	sshll.u32 s16, $0x3;
	[tilespmem:s14+$0x20] =	vst v0  }
0x1d: {  	s19 =	sshll.u32 s16, $0x7;
	s18 =	sand.u32 $0xF000, s15;
	s16 =	sadd.s32 $0x1, s16;
	[tilespmem:s14+$0x30] =	vst v0  }
0x1e: {  	s15 =	sand.u32 $0xC000, s19;
	s16 =	sshrl.u32 s18, $0x2;
	[tilespmem:s14+$0x40] =	vst v0  }
0x1f: {  	s17 =	sand.u32 $0x380, s17;
	[tilespmem:s14+$0x50] =	vst v0;
	s15 =	sor.u32 s16, s15  }
0x20: {  	[tilespmem:s14+$0x60] =	vst v0;
	s15 =	sor.u32 s17, s15  }
0x21: {  	[tilespmem:s15+$0x70] =	vst v0  }
0x22: {  	[tilespmem:s15+$0x0] =	vst v0  }
0x23: {  	[tilespmem:s15+$0x10] =	vst v0  }
0x24: {  	[tilespmem:s15+$0x20] =	vst v0  }
0x25: {  	[tilespmem:s15+$0x30] =	vst v0  }
0x26: {  	[tilespmem:s15+$0x40] =	vst v0  }
0x27: {  	[tilespmem:s15+$0x50] =	vst v0  }
0x28: {  	s29 =	simm.s32 $0x0;
	[tilespmem:s15+$0x60] =	vst v0  }
0x29: {  	[tilespmem:s10], [sflag:$0x1] =	stream.linear.gather [hbm4b:s3+s29], $0x1000, $0x38;
	[tilespmem:$0x14000] =	vst v63  }
0x2a: {  	_ =	swait.ge [sflag:s11], $0x1000  }
0x2b: {  	[sflag:s11] =	ssyncset.done $0x0  }
0x2c: {  	[sflag:s11] =	ssyncadd.s32 $0xFFFFF000  }
0x2d: {  	[tilespmem:s12], [sflag:$0x1] =	stream.linear.gather [hbm4b:s4+s29], $0x1000, $0x38;
	[tilespmem:$0x14000] =	vst v63  }
0x2e: {  	_ =	swait.ge [sflag:s11], $0x1000  }
0x2f: {  	s30 =	simm.s32 $0x0;
	s14 =	sand.u32 $0x10, s29;
	[sflag:s11] =	ssyncset.done $0x0  }
0x30: {  	s14 =	sor.u32 s14, s30;
	[sflag:s11] =	ssyncadd.s32 $0xFFFFF000  }
0x31: {  	v1 =	vld [tilespmem:s14+$0x10000];
	_ =	sdelay $0x2  }
0x32: {  	s31 =	simm.s32 $0x0  }
0x33: {  	v2 =	vmov s31  }
0x34: {  	v3 =	vshll.u32 v2, $0xB;
	v4 =	vshll.u32 v1, $0x3  }
0x35: {  	v2 =	vshll.u32 v2, $0x7;
	v3 =	vand.u32 $0xC000, v3;
	v4 =	vand.u32 $0xFFFFFC00, v4  }
0x36: {  	v2 =	vand.u32 $0x380, v2;
	v3 =	vadd.s32 v3, v4  }
0x37: {  	v63 =	vand.u32 $0x7F, v1;
	v2 =	vor.u32 v2, v3  }
0x38: {  	v1 =	vld [tilespmem:s14+$0x12000];
	v2 =	vor.u32 v63, v2;
	_ =	sdelay $0x2  }
0x39: {  	s16 =	simm.s32 $0x0;
	s15 =	simm.s32 $0x2;
	s14 =	simm.s32 $0x10  }
.LBB2_4:
0x3a: {  	p0 =	sne.s32 s15, $0x3F;
	s17 =	sand.u32 $0x10, s14;
	s18 =	sshll.u32 s16, $0x7  }
0x3b: {  	s17 =	sor.u32 s17, s18;
	[tilespmem:v2+s1+$0x0] =	vst.idx.add.f32.msk $0xffff, v1  }
0x3c: {  	v1 =	vld [tilespmem:s17+$0x10000];
	_ =	sdelay $0x3  }
0x3d: {  	v2 =	vmov s16  }
0x3e: {  	v3 =	vshll.u32 v2, $0xB;
	v4 =	vshll.u32 v1, $0x3  }
0x3f: {  	v2 =	vshll.u32 v2, $0x7;
	v3 =	vand.u32 $0xC000, v3;
	v4 =	vand.u32 $0xFFFFFC00, v4  }
0x40: {  	v2 =	vand.u32 $0x380, v2;
	v3 =	vadd.s32 v3, v4  }
.Ltmp1:
0x41: {  	v4 =	vand.u32 $0x7F, v1;
	v2 =	vor.u32 v2, v3;
	(pc) =	sbr.rel @p0 .LBB2_4-.Ltmp1, $2  }
0x42: {  	v1 =	vld [tilespmem:s17+$0x12000];
	v2 =	vor.u32 v4, v2;
	_ =	sdelay $0x2  }
0x43: {  	s14 =	sadd.s32 $0x10, s14;
	s16 =	sshrl.u32 s15, $0x1;
	s15 =	sadd.s32 $0x1, s15  }
0x44: {  	_ =	sdelay $0x2  }
0x45: {  	s14 =	sand.u32 $0x10, s14;
	s15 =	sshll.u32 s16, $0x7  }
0x46: {  	s14 =	sor.u32 s14, s15;
	[tilespmem:v2+s1+$0x0] =	vst.idx.add.f32.msk $0xffff, v1  }
0x47: {  	v1 =	vld [tilespmem:s14+$0x10000];
	_ =	sdelay $0x3  }
0x48: {  	v2 =	vmov s16  }
0x49: {  	v3 =	vshll.u32 v2, $0xB;
	v4 =	vshll.u32 v1, $0x3  }
0x4a: {  	v2 =	vshll.u32 v2, $0x7;
	v3 =	vand.u32 $0xC000, v3;
	v4 =	vand.u32 $0xFFFFFC00, v4  }
0x4b: {  	v2 =	vand.u32 $0x380, v2;
	v3 =	vadd.s32 v3, v4  }
0x4c: {  	v1 =	vand.u32 $0x7F, v1;
	v2 =	vor.u32 v2, v3  }
0x4d: {  	v3 =	vld [tilespmem:s14+$0x12000];
	v1 =	vor.u32 v1, v2;
	_ =	sdelay $0x4  }
0x4e: {  	s29 =	simm.s32 $0x0;
	[tilespmem:v1+s1+$0x0] =	vst.idx.add.f32.msk $0xffff, v3  }
0x4f: {  	[hbm4b:s5+s29] =	stream.linear.scatter [tilespmem:s29], [sflag:$0x1], $0x10000, $0x38;
	[tilespmem:$0x14000] =	vst v63  }
0x50: {  	_ =	swait.ge [sflag:s11], $0x10000  }
0x51: {  	s30 =	simm.s32 $0x0;
	s14 =	sand.u32 $0x10, s29;
	[sflag:s11] =	ssyncset.done $0x0  }
0x52: {  	s14 =	sor.u32 s14, s30;
	[sflag:s11] =	ssyncadd.s32 $0xFFFF0000  }
0x53: {  	v1 =	vld [tilespmem:s14+$0x10000];
	_ =	sdelay $0x2  }
0x54: {  	s31 =	simm.s32 $0x0  }
0x55: {  	v2 =	vmov s31  }
0x56: {  	v3 =	vshll.u32 v2, $0xB;
	v62 =	vshll.u32 v1, $0x3  }
0x57: {  	v2 =	vshll.u32 v2, $0x7;
	v3 =	vand.u32 $0xC000, v3;
	v4 =	vand.u32 $0xFFFFFC00, v62  }
0x58: {  	v2 =	vand.u32 $0x380, v2;
	v3 =	vadd.s32 v3, v4  }
0x59: {  	v63 =	vand.u32 $0x7F, v1;
	v1 =	vld [tilespmem:s14+$0x12000];
	v2 =	vor.u32 v2, v3  }
0x5a: {  	v2 =	vor.u32 v63, v2;
	_ =	sdelay $0x2  }
0x5b: {  	s16 =	simm.s32 $0x0;
	s15 =	simm.s32 $0x2;
	s14 =	simm.s32 $0x10  }
.LBB2_6:
0x5c: {  	p0 =	sne.s32 s15, $0x3F;
	s17 =	sand.u32 $0x10, s14;
	s18 =	sshll.u32 s16, $0x7;
	v1 =	vxor.u32 $0x80000000, v1  }
0x5d: {  	s17 =	sor.u32 s17, s18;
	[tilespmem:v2+s1+$0x0] =	vst.idx.add.f32.msk $0xffff, v1  }
0x5e: {  	v2 =	vld [tilespmem:s17+$0x10000];
	_ =	sdelay $0x3  }
0x5f: {  	v1 =	vmov s16  }
0x60: {  	v3 =	vshll.u32 v1, $0xB;
	v4 =	vshll.u32 v2, $0x3  }
0x61: {  	v1 =	vshll.u32 v1, $0x7;
	v3 =	vand.u32 $0xC000, v3;
	v4 =	vand.u32 $0xFFFFFC00, v4  }
0x62: {  	v3 =	vadd.s32 v3, v4;
	v4 =	vand.u32 $0x380, v1  }
.Ltmp2:
0x63: {  	v2 =	vand.u32 $0x7F, v2;
	v1 =	vld [tilespmem:s17+$0x12000];
	v3 =	vor.u32 v4, v3;
	(pc) =	sbr.rel @p0 .LBB2_6-.Ltmp2, $2  }
0x64: {  	v2 =	vor.u32 v2, v3;
	_ =	sdelay $0x2  }
0x65: {  	s14 =	sadd.s32 $0x10, s14;
	s16 =	sshrl.u32 s15, $0x1;
	s15 =	sadd.s32 $0x1, s15  }
0x66: {  	_ =	sdelay $0x2  }
0x67: {  	s14 =	sand.u32 $0x10, s14;
	s15 =	sshll.u32 s16, $0x7;
	v1 =	vxor.u32 $0x80000000, v1  }
0x68: {  	s14 =	sor.u32 s14, s15;
	[tilespmem:v2+s1+$0x0] =	vst.idx.add.f32.msk $0xffff, v1  }
0x69: {  	v1 =	vld [tilespmem:s14+$0x10000];
	_ =	sdelay $0x3  }
0x6a: {  	v2 =	vmov s16  }
0x6b: {  	v3 =	vshll.u32 v2, $0xB;
	v4 =	vshll.u32 v1, $0x3  }
0x6c: {  	v2 =	vshll.u32 v2, $0x7;
	v3 =	vand.u32 $0xC000, v3;
	v4 =	vand.u32 $0xFFFFFC00, v4  }
0x6d: {  	v2 =	vand.u32 $0x380, v2;
	v3 =	vadd.s32 v3, v4  }
0x6e: {  	v61 =	vld [tilespmem:s14+$0x12000];
	v1 =	vand.u32 $0x7F, v1;
	v2 =	vor.u32 v2, v3  }
0x6f: {  	v1 =	vor.u32 v1, v2;
	_ =	sdelay $0x3  }
0x70: {  	v2 =	vxor.u32 $0x80000000, v61  }
0x71: {  	s29 =	simm.s32 $0x0;
	[tilespmem:v1+s1+$0x0] =	vst.idx.add.f32.msk $0xffff, v2  }
0x72: {  	[tilespmem:s10], [sflag:$0x1] =	stream.linear.gather [hbm4b:s6+s29], $0x1000, $0x38;
	[tilespmem:$0x14000] =	vst v63  }
0x73: {  	_ =	swait.ge [sflag:s11], $0x1000  }
0x74: {  	[sflag:s11] =	ssyncset.done $0x0  }
0x75: {  	[sflag:s11] =	ssyncadd.s32 $0xFFFFF000  }
0x76: {  	[tilespmem:s12], [sflag:$0x1] =	stream.linear.gather [hbm4b:s7+s29], $0x1000, $0x38;
	[tilespmem:$0x14000] =	vst v63  }
0x77: {  	_ =	swait.ge [sflag:s11], $0x1000  }
0x78: {  	s30 =	simm.s32 $0x0;
	s14 =	sand.u32 $0x10, s29;
	[sflag:s11] =	ssyncset.done $0x0  }
0x79: {  	s14 =	sor.u32 s14, s30;
	[sflag:s11] =	ssyncadd.s32 $0xFFFFF000  }
0x7a: {  	v1 =	vld [tilespmem:s14+$0x10000];
	_ =	sdelay $0x2  }
0x7b: {  	s31 =	simm.s32 $0x0  }
0x7c: {  	v2 =	vmov s31  }
0x7d: {  	v3 =	vshll.u32 v2, $0xB;
	v62 =	vshll.u32 v1, $0x3  }
0x7e: {  	v2 =	vshll.u32 v2, $0x7;
	v3 =	vand.u32 $0xC000, v3;
	v4 =	vand.u32 $0xFFFFFC00, v62  }
0x7f: {  	v2 =	vand.u32 $0x380, v2;
	v3 =	vadd.s32 v3, v4  }
0x80: {  	v63 =	vand.u32 $0x7F, v1;
	v2 =	vor.u32 v2, v3  }
0x81: {  	v1 =	vld [tilespmem:s14+$0x12000];
	v2 =	vor.u32 v63, v2;
	_ =	sdelay $0x2  }
0x82: {  	s16 =	simm.s32 $0x0;
	s15 =	simm.s32 $0x2;
	s14 =	simm.s32 $0x10  }
.LBB2_8:
0x83: {  	p0 =	sne.s32 s15, $0x3F;
	s17 =	sand.u32 $0x10, s14;
	s18 =	sshll.u32 s16, $0x7  }
0x84: {  	s17 =	sor.u32 s17, s18;
	[tilespmem:v2+s1+$0x0] =	vst.idx.add.f32.msk $0xffff, v1  }
0x85: {  	v1 =	vld [tilespmem:s17+$0x10000];
	_ =	sdelay $0x3  }
0x86: {  	v2 =	vmov s16  }
0x87: {  	v3 =	vshll.u32 v2, $0xB;
	v4 =	vshll.u32 v1, $0x3  }
0x88: {  	v2 =	vshll.u32 v2, $0x7;
	v3 =	vand.u32 $0xC000, v3;
	v4 =	vand.u32 $0xFFFFFC00, v4  }
0x89: {  	v2 =	vand.u32 $0x380, v2;
	v3 =	vadd.s32 v3, v4  }
.Ltmp3:
0x8a: {  	v4 =	vand.u32 $0x7F, v1;
	v2 =	vor.u32 v2, v3;
	(pc) =	sbr.rel @p0 .LBB2_8-.Ltmp3, $2  }
0x8b: {  	v1 =	vld [tilespmem:s17+$0x12000];
	v2 =	vor.u32 v4, v2;
	_ =	sdelay $0x2  }
0x8c: {  	s14 =	sadd.s32 $0x10, s14;
	s16 =	sshrl.u32 s15, $0x1;
	s15 =	sadd.s32 $0x1, s15  }
0x8d: {  	_ =	sdelay $0x2  }
0x8e: {  	s14 =	sand.u32 $0x10, s14;
	s15 =	sshll.u32 s16, $0x7  }
0x8f: {  	s14 =	sor.u32 s14, s15;
	[tilespmem:v2+s1+$0x0] =	vst.idx.add.f32.msk $0xffff, v1  }
0x90: {  	v1 =	vld [tilespmem:s14+$0x10000];
	_ =	sdelay $0x3  }
0x91: {  	v2 =	vmov s16  }
0x92: {  	v3 =	vshll.u32 v2, $0xB;
	v4 =	vshll.u32 v1, $0x3  }
0x93: {  	v2 =	vshll.u32 v2, $0x7;
	v3 =	vand.u32 $0xC000, v3;
	v4 =	vand.u32 $0xFFFFFC00, v4  }
0x94: {  	v2 =	vand.u32 $0x380, v2;
	v3 =	vadd.s32 v3, v4  }
0x95: {  	v1 =	vand.u32 $0x7F, v1;
	v2 =	vor.u32 v2, v3  }
0x96: {  	v3 =	vld [tilespmem:s14+$0x12000];
	v1 =	vor.u32 v1, v2;
	_ =	sdelay $0x2  }
0x97: {  	s13 =	sadd.s32 $0x1, s13  }
0x98: {  	p0 =	sne.s32 s13, s9  }
.Ltmp4:
0x99: {  	[tilespmem:v1+s1+$0x0] =	vst.idx.add.f32.msk $0xffff, v3;
	(pc) =	sbr.rel @p0 .LBB2_1-.Ltmp4, $4  }
0x9a: {  	[hbm4b:s8+s1] =	stream.linear.scatter [tilespmem:s1], [sflag:$0x1], $0x10000, $0x38;
	[tilespmem:$0x14000] =	vst v63  }
0x9b: {  	_ =	swait.ge [sflag:s11], $0x10000  }
0x9c: {  	[sflag:s11] =	ssyncset.done $0x0  }
0x9d: {  	[sflag:s11] =	ssyncadd.s32 $0xFFFF0000  }
0x9e: {  	_ =	sfence.sel $0x180000  }
0x9f: {  	[bflag:$0x0] =	sbarrier.arrive $0xFFFF  }
0xa0: {  	p0 =	sne.s32 s2, $0x0;
	_ =	strace $0x9000004A  }
0xa1: {  	s0 =	sadd.s32 @!p0 $0x100000, s0;
	[bflag:$0x2] =	sbarrier.arrive $0xFFFF  }
0xa2: {  	[sflag:s0] =	ssyncadd.tile.s32 @!p0 $0x1;
	_ =	shalt  }
.Lfunc_end2:
_tile_overlayer_lowered:
.L_overlay_start_2:
0xa3: {  	(tag) =	ssettag $0x2  }
0xa4: {  	s0 =	rddreg [dreg:$0x0];
	s2 =	stileid.u32  }
0xa5: {  	s1 =	rddreg [dreg:$0x1];
	p0 =	sne.s32 s2, $0x0  }
0xa6: {  	s3 =	rddreg [dreg:$0x2];
	[bflag:$0x3] =	sbarrier.arrive $0xFFFF;
	s2 =	simm.s32 @!p0 $0x1C01  }
0xa7: {  	[timem:s3], [sflag:s2] =	dma.local @!p0 [hbm:s0], s1  }
0xa8: {  	s0 =	simm.s32 @!p0 $0x1  }
0xa9: {  	_ =	swait.ge @!p0 [sflag:s0], s1  }
0xaa: {  	s1 =	ssub.s32 @!p0 $0x0, s1;
	[sflag:s0] =	ssyncset.done @!p0 $0x0  }
0xab: {  	[sflag:s0] =	ssyncadd.s32 @!p0 s1  }
0xac: {  	[bflag:$0x3] =	sbarrier.arrive $0xFFFF  }
0xad: {  	_ =	shalt  }

// kernel: kernel.16.cloned.1.call-start
scs
__scs_entry_jumppad:
0x0: {  	(pc) =	sbr.rel $0x88, $3  }
0x1: {  	(tag) =	ssettag $0x0;
	lr =	simm.s32 $0x1  }
0x2: {  	[smem:$0x3F99] =	sst lr;
	_ =	strace $0xD0000000  }
0x3: {  	_ = 	snop  }
0x4: {  	_ = 	snop  }
0x5: {  	_ = 	snop  }
0x6: {  	_ = 	snop  }
0x7: {  	_ = 	snop  }
__scs_overlays_trampoline_lowered:
0x8: {  	[smem:$0x3FA8] =	sst s0  }
0x9: {  	[smem:$0x3FA9] =	sst s1  }
0xa: {  	[smem:$0x3FAA] =	sst s2  }
0xb: {  	[smem:$0x3FAB] =	sst s3  }
0xc: {  	[smem:$0x3FAC] =	sst s4  }
0xd: {  	[smem:$0x3FAD] =	sst s5  }
0xe: {  	[smem:$0x3FAE] =	sst s6  }
0xf: {  	[smem:$0x3FAF] =	sst s7  }
0x10: {  	[smem:$0x3FB0] =	sst s8  }
0x11: {  	[smem:$0x3FB1] =	sst s9;
	s0 =	simm.s32 @!p0 $0x0  }
0x12: {  	s1 =	sld [smem:$0x3F97];
	s0 =	simm.s32 @p0 $0x1  }
0x13: {  	[smem:$0x3FB2] =	sst s0;
	s0 =	simm.s32 @!p1 $0x0  }
0x14: {  	s2 =	sld [smem:$0x3F96];
	s0 =	simm.s32 @p1 $0x1  }
0x15: {  	[smem:$0x3FB3] =	sst s0;
	s0 =	simm.s32 @!p2 $0x0  }
0x16: {  	s3 =	sld [smem:$0x3FDB];
	s0 =	simm.s32 @p2 $0x1  }
0x17: {  	s4 =	simm.s32 $0x1BF5;
	[smem:$0x3FB5] =	sst s0  }
0x18: {  	s0 =	sld [smem:$0x3F98];
	_ =	swait.ge [sflag:s4], $0x0  }
0x19: {  	s7 =	sld [smem:$0x3F99]  }
0x1a: {  	s8 =	sadd.s32 $0xFFFFE003, lr  }
0x1b: {  	s9 =	sadd.s32 $0xFFFFFEF7, lr;
	s5 =	simm.s32 $0xFFFFFFFF;
	p2 =	slt.u32 s8, $0xFFFFF086  }
0x1c: {  	p1 =	slt.u32 s9, $0xF7A;
	s5 =	simm.s32 @!p2 $0x0  }
0x1d: {  	s5 =	simm.s32 @p1 $0x1;
	p0 =	seq.s32 s7, s2  }
0x1e: {  	s7 =	smul.u32 @!p0 $0xF7A, s2;
	p2 =	seq.s32 @!p0 s5, $0x0  }
0x1f: {  	s9 =	smul.u32 $0xF7A, s1;
	s8 =	simm.s32 @!p0 $0x1BF5;
	p2 =	por !p2, p0  }
0x20: {  	[sflag:s8] =	ssyncset.s32 @!p0 $0xFFFFF086;
	s6 =	sadd.s32 @!p0 s3, s7;
	s7 =	simm.s32 @!p0 $0x108  }
0x21: {  	s3 =	sadd.s32 s3, s9;
	s6 =	sadd.s32 @!p0 $0x88, s6;
	s7 =	simm.s32 @p2 $0x1082  }
0x22: {  	[simem:s7], [sflag:s8] =	dma.local @!p0 [hbm:s6], $0xF7A  }
0x23: {  	s9 =	sor.u32 $0xD0000000, s2;
	s6 =	simm.s32 $0x108;
	_ =	swait.ge @!p0 [sflag:s8], $0x0  }
0x24: {  	s3 =	sadd.s32 $0x88, s3;
	s6 =	simm.s32 @!p1 $0x1082;
	[sflag:s4] =	ssyncset.s32 $0xFFFFF086  }
0x25: {  	[simem:s6], [sflag:s4] =	dma.local [hbm:s3], $0xF7A  }
0x26: {  	[smem:$0x3F99] =	sst s1;
	(tag) =	ssettag s2;
	_ =	strace s9  }
0x27: {  	s1 =	sld [smem:$0x3FA9]  }
0x28: {  	s2 =	sld [smem:$0x3FAA]  }
0x29: {  	s4 =	sld [smem:$0x3FAC]  }
0x2a: {  	p0 =	seq.s32 s5, $0x0;
	s5 =	sld [smem:$0x3FAD]  }
0x2b: {  	s6 =	sld [smem:$0x3FAE]  }
0x2c: {  	s7 =	sld [smem:$0x3FAF]  }
0x2d: {  	s3 =	simm.s32 $0x108;
	s8 =	sld [smem:$0x3FB0]  }
0x2e: {  	s3 =	simm.s32 @!p0 $0x1082;
	s9 =	sld [smem:$0x3FB1]  }
0x2f: {  	lr =	sadd.s32 s0, s3;
	s0 =	sld [smem:$0x3FA8]  }
0x30: {  	s3 =	sld [smem:$0x3FAB]  }
0x31: {  	[smem:$0x3FB4] =	sst s10  }
0x32: {  	s10 =	sld [smem:$0x3FB2];
	_ =	sdelay $0x3  }
0x33: {  	p0 =	seq.s32 s10, $0x1;
	s10 =	sld [smem:$0x3FB4];
	_ =	sdelay $0x3  }
0x34: {  	[smem:$0x3FB4] =	sst s10  }
0x35: {  	s10 =	sld [smem:$0x3FB3];
	_ =	sdelay $0x3  }
0x36: {  	p1 =	seq.s32 s10, $0x1;
	s10 =	sld [smem:$0x3FB4];
	_ =	sdelay $0x3  }
0x37: {  	[smem:$0x3FB4] =	sst s10  }
0x38: {  	s10 =	sld [smem:$0x3FB5]  }
0x39: {  	_ = 	snop;
	(pc) =	sbr.ind lr, $3  }
0x3a: {  	_ = 	snop  }
0x3b: {  	_ = 	snop  }
0x3c: {  	p2 =	seq.s32 s10, $0x1;
	s10 =	sld [smem:$0x3FB4]  }
0x3d: {  	_ =	shalt  }
0x3e: {  	_ =	shalt  }
0x3f: {  	_ =	shalt  }
0x40: {  	_ =	shalt  }
0x41: {  	_ =	shalt  }
0x42: {  	_ =	shalt  }
0x43: {  	_ =	shalt  }
0x44: {  	_ =	shalt  }
0x45: {  	_ =	shalt  }
0x46: {  	_ =	shalt  }
0x47: {  	_ =	shalt  }
0x48: {  	_ =	shalt  }
0x49: {  	_ =	shalt  }
0x4a: {  	_ =	shalt  }
0x4b: {  	_ =	shalt  }
0x4c: {  	_ =	shalt  }
0x4d: {  	_ =	shalt  }
0x4e: {  	_ =	shalt  }
0x4f: {  	_ =	shalt  }
0x50: {  	_ =	shalt  }
0x51: {  	_ =	shalt  }
0x52: {  	_ =	shalt  }
0x53: {  	_ =	shalt  }
0x54: {  	_ =	shalt  }
0x55: {  	_ =	shalt  }
0x56: {  	_ =	shalt  }
0x57: {  	_ =	shalt  }
0x58: {  	_ =	shalt  }
0x59: {  	_ =	shalt  }
0x5a: {  	_ =	shalt  }
0x5b: {  	_ =	shalt  }
0x5c: {  	_ =	shalt  }
0x5d: {  	_ =	shalt  }
0x5e: {  	_ =	shalt  }
0x5f: {  	_ =	shalt  }
0x60: {  	_ =	shalt  }
0x61: {  	_ =	shalt  }
0x62: {  	_ =	shalt  }
0x63: {  	_ =	shalt  }
0x64: {  	_ =	shalt  }
0x65: {  	_ =	shalt  }
0x66: {  	_ =	shalt  }
0x67: {  	_ =	shalt  }
0x68: {  	_ =	shalt  }
0x69: {  	_ =	shalt  }
0x6a: {  	_ =	shalt  }
0x6b: {  	_ =	shalt  }
0x6c: {  	_ =	shalt  }
0x6d: {  	_ =	shalt  }
0x6e: {  	_ =	shalt  }
0x6f: {  	_ =	shalt  }
0x70: {  	_ =	shalt  }
0x71: {  	_ =	shalt  }
0x72: {  	_ =	shalt  }
0x73: {  	_ =	shalt  }
0x74: {  	_ =	shalt  }
0x75: {  	_ =	shalt  }
0x76: {  	_ =	shalt  }
0x77: {  	_ =	shalt  }
0x78: {  	_ =	shalt  }
0x79: {  	_ =	shalt  }
0x7a: {  	_ =	shalt  }
0x7b: {  	_ =	shalt  }
0x7c: {  	_ =	shalt  }
0x7d: {  	_ =	shalt  }
0x7e: {  	_ =	shalt  }
0x7f: {  	_ =	shalt  }
0x80: {  	_ =	shalt  }
0x81: {  	_ =	shalt  }
0x82: {  	_ =	shalt  }
0x83: {  	_ =	shalt  }
0x84: {  	_ =	shalt  }
0x85: {  	_ =	shalt  }
0x86: {  	_ =	shalt  }
0x87: {  	_ =	shalt  }
.Lfunc_end0:
.L_simem_size_0:
called_computation.2_lowered:
.L_overlay_start_0:
0x88: {  	s2 =	sld [smem:$0x3FD9]  }
0x89: {  	s3 =	sld [smem:$0x3FFE];
	_ =	sdelay $0x1  }
0x8a: {  	s1 =	srdreg.scid  }
0x8b: {  	s0 =	sand.u32 $0x1, s1  }
0x8c: {  	s17 =	sshll.u32 s0, $0xA;
	s2 =	sadd.s32 s3, s2  }
0x8d: {  	s2 =	sadd.s32 s2, s17  }
0x8e: {  	[smem:$0x3FC0] =	sst s2  }
0x8f: {  	_ = 	snop  }
0x90: {  	(tm) =	ssettm $0x1  }
0x91: {  	s18 =	sld [smem:$0x3FFB];
	_ =	sdelay $0x3  }
0x92: {  	_ =	strace s18  }
0x93: {  	s2 =	sld [smem:$0x3FFC];
	_ =	sdelay $0x3  }
0x94: {  	_ =	strace s2  }
0x95: {  	s2 =	sld [smem:$0x3FFD];
	_ =	sdelay $0x3  }
0x96: {  	_ =	strace s2  }
0x97: {  	_ =	strace $0x8FFFFFFF  }
0x98: {  	s19 =	sld [smem:$0x3FDB];
	_ =	sdelay $0x1  }
0x99: {  	s20 =	simm.s32 $_scs_section_size  }
0x9a: {  	s4 =	simm.s32 $_size__tile_overlayer_lowered;
	s5 =	simm.s32 $_tile_overlayer_lowered  }
0x9b: {  	s6 =	simm.s32 $0x1BFF;
	s21 =	sshll.u32 s5, $0x1;
	s3 =	sadd.s32 s20, s19  }
0x9c: {  	s22 =	simm.s32 $0x0;
	s4 =	sshll.u32 s4, $0x1;
	s5 =	sadd.s32 s21, s3  }
0x9d: {  	[timem:s22], [sflag:s6] =	dma.local [hbm:s5], s4  }
0x9e: {  	_ =	swait.ge [sflag:s6], s4  }
0x9f: {  	s4 =	ssub.s32 $0x0, s4;
	[sflag:s6] =	ssyncset.done $0x0  }
0xa0: {  	[sflag:s6] =	ssyncadd.s32 s4;
	_ =	sdelay $0x1  }
0xa1: {  	s23 =	simm.s32 $0x1B8B  }
0xa2: {  	_ =	swait.ge [sflag:s23], $0x1  }
0xa3: {  	[sflag:s23] =	ssyncset.done $0x0  }
0xa4: {  	[sflag:s23] =	ssyncadd.s32 $0xFFFFFFFF  }
0xa5: {  	s4 =	sld [smem:$0x0]  }
0xa6: {  	s5 =	sand.u32 $0xFFFFFFFE, s1  }
0xa7: {  	p0 =	sne.s32 s1, s5  }
0xa8: {  	s5 =	sshll.u32 @p0 s5, $0xE  }
0xa9: {  	s5 =	sadd.s32 @p0 $0x11B8D, s5;
	s6 =	sshll.u32 @p0 s4, $0x11  }
0xaa: {  	s5 =	sor.u32 @p0 s6, s5  }
0xab: {  	[sflag:s5] =	ssyncadd.remote.s32 @p0 $0x1;
	_ =	sdelay $0x1  }
0xac: {  	s5 =	simm.s32 @p0 $0x1B8D  }
0xad: {  	_ =	swait.eq @p0 [sflag:s5], $0x1  }
0xae: {  	[sflag:s5] =	ssyncadd.s32 @p0 $0xFFFFFFFF  }
0xaf: {  	s6 =	sshll.u32 @!p0 s1, $0xE  }
0xb0: {  	s6 =	sor.u32 @!p0 $0x4000, s6;
	s5 =	simm.s32 @!p0 $0x1B8D  }
0xb1: {  	s4 =	sshll.u32 @!p0 s4, $0x11;
	s6 =	sadd.s32 @!p0 $0x11B8D, s6;
	_ =	swait.eq @!p0 [sflag:s5], $0x1  }
0xb2: {  	s4 =	sor.u32 @!p0 s4, s6;
	[sflag:s5] =	ssyncadd.s32 @!p0 $0xFFFFFFFF  }
0xb3: {  	s25 =	simm.s32 $0x1B8E;
	s24 =	sld [smem:$0x3FFE];
	[sflag:s4] =	ssyncadd.remote.s32 @!p0 $0x1  }
0xb4: {  	s26 =	simm.s32 $execute0_lowered;
	[smem:$0x3FD2] =	sst s25  }
0xb5: {  	s5 =	sshll.u32 s26, $0x1;
	_ =	strace $0x8000004C;
	[dreg:$0x1] =	wrdreg $0xFFFFFFFF  }
0xb6: {  	s28 =	simm.s32 $_size_execute0_lowered;
	s3 =	sadd.s32 s3, s5;
	[dreg:$0x0] =	wrdreg $0x0  }
0xb7: {  	s5 =	sshll.u32 s28, $0x1;
	[dreg:$0x2] =	wrdreg s3  }
0xb8: {  	[dreg:$0x3] =	wrdreg s5  }
0xb9: {  	[dreg:$0x4] =	wrdreg $0xC0  }
0xba: {  	_ =	task [dreg:s22], $0x5FFFF  }
0xbb: {  	[dreg:$0x1] =	wrdreg $0xFFFFFFFF  }
0xbc: {  	[dreg:$0x0] =	wrdreg $0x60  }
0xbd: {  	[dreg:$0x2] =	wrdreg s24  }
0xbe: {  	[dreg:$0x3] =	wrdreg $0xB  }
0xbf: {  	_ =	task.clear_ibuf [dreg:s22], $0x4FFFF;
	_ =	strace $0x9000004C  }
0xc0: {  	s29 =	simm.s32 $0xB;
	_ =	strace $0x8000004E  }
0xc1: {  	_ =	swait.ge [sflag:s29], $0x1  }
0xc2: {  	[sflag:s29] =	ssyncadd.s32 $0xFFFFFFFF  }
0xc3: {  	_ =	strace $0x9000004E  }
0xc4: {  	_ =	sfence  }
0xc5: {  	s30 =	sld [smem:$0x0];
	_ =	sdelay $0x2  }
0xc6: {  	s31 =	sshll.u32 s1, $0xD;
	s1 =	sshrl.u32 s1, $0x2  }
0xc7: {  	s4 =	sand.u32 $0x4000, s31;
	s1 =	sadd.s32 s1, s30  }
0xc8: {  	s0 =	sor.u32 s4, s0;
	s1 =	sshll.u32 s1, $0x11  }
0xc9: {  	s0 =	sor.u32 s1, s0  }
0xca: {  	s0 =	sadd.s32 $0x8F2B, s0  }
0xcb: {  	[sflag:s0] =	ssyncadd.remote.s32 $0x1  }
0xcc: {  	_ =	sfence.sel $0xFFFF  }
0xcd: {  	[dreg:$0x0] =	wrdreg $0xFFFFFFFF;
	(pc) =	sbr.abs _section_cstart, $3  }
0xce: {  	[dreg:$0x1] =	wrdreg $0xFFFFFFFF  }
0xcf: {  	_ =	task.clear_ibuf [dreg:s22], $0x2FFFF;
	_ =	strace $0x9FFFFFFF  }
0xd0: {  	(tm) =	ssettm $0x7FFFFFFF  }
0xd1: {  	_ =	shalt  }
tec
execute0_lowered:
.L_overlay_start_1:
0x0: {  	(tag) =	ssettag $0x1  }
0x1: {  	s3 =	rddreg [dreg:$0x0]  }
0x2: {  	s0 =	rddreg [dreg:$0x1];
	s1 =	simm.s32 $0x0;
	s4 =	srdreg.scid  }
0x3: {  	s2 =	stileid.u32;
	s12 =	simm.s32 $0x12000;
	s13 =	simm.s32 $0x0  }
0x4: {  	[smem:$0x7FF] =	sst s1;
	s6 =	sadd.s32 $0xDB200, s3;
	s4 =	sand.u32 $0x1, s4  }
0x5: {  	s7 =	sadd.s32 $0xE3200, s3;
	s8 =	sshll.u32 s2, $0x7;
	s5 =	ssub.s32 $0x2, s4  }
0x6: {  	s9 =	sadd.s32 $0xEB200, s3;
	s4 =	sshll.u32 s4, $0x6;
	s29 =	sshrl.u32 s5, $0x1  }
0x7: {  	_ =	strace $0x8000004D;
	s4 =	sor.u32 s4, s8;
	s10 =	ssub.s32 s5, s29  }
0x8: {  	s30 =	sshll.u32 s4, $0x4;
	s8 =	sshrl.u32 s4, $0x3;
	s11 =	sshll.u32 s4, $0x8  }
0x9: {  	s3 =	sadd.s32 s6, s30;
	s8 =	sor.u32 $0x4, s8;
	s4 =	sadd.s32 s7, s30  }
0xa: {  	s5 =	sadd.s32 s9, s11;
	s11 =	simm.s32 $0x1;
	s31 =	sshll.u32 s8, $0x7  }
0xb: {  	s8 =	sshll.u32 s8, $0xB;
	s6 =	sadd.s32 s6, s31;
	s7 =	sadd.s32 s7, s31  }
0xc: {  	v0 =	vimm.f32 $0.0e+00;
	s8 =	sadd.s32 s9, s8;
	s9 =	smax.u32 s10, $0x1;
	s10 =	simm.s32 $0x10000  }
.LBB2_1:
0xd: {  	s14 =	sand.u32 $0xF000, s1;
	s15 =	simm.s32 $0x0  }
0xe: {  	s16 =	simm.s32 $0x0;
	s15 =	sand.u32 $0xC000, s15;
	s14 =	sshrl.u32 s14, $0x2  }
0xf: {  	s16 =	sand.u32 $0x380, s16;
	s14 =	sor.u32 s14, s15  }
0x10: {  	s14 =	sor.u32 s16, s14  }
0x11: {  	[tilespmem:s14+$0x70] =	vst v0  }
0x12: {  	[tilespmem:s14+$0x0] =	vst v0  }
0x13: {  	[tilespmem:s14+$0x10] =	vst v0  }
0x14: {  	s17 =	simm.s32 $0x8;
	s15 =	simm.s32 $0x1000;
	[tilespmem:s14+$0x20] =	vst v0  }
0x15: {  	s19 =	simm.s32 $0x80;
	s18 =	sand.u32 $0xF000, s15;
	s16 =	simm.s32 $0x2;
	[tilespmem:s14+$0x30] =	vst v0  }
.LBB2_2:
0x16: {  	p0 =	sne.s32 s16, $0x1FF;
	s19 =	sand.u32 $0xC000, s19;
	s18 =	sshrl.u32 s18, $0x2;
	[tilespmem:s14+$0x40] =	vst v0  }
0x17: {  	s17 =	sand.u32 $0x380, s17;
	s18 =	sor.u32 s18, s19;
	[tilespmem:s14+$0x50] =	vst v0  }
0x18: {  	[tilespmem:s14+$0x60] =	vst v0;
	s14 =	sor.u32 s17, s18  }
.Ltmp0:
0x19: {  	[tilespmem:s14+$0x70] =	vst v0;
	(pc) =	sbr.rel @p0 .LBB2_2-.Ltmp0, $4  }
0x1a: {  	[tilespmem:s14+$0x0] =	vst v0  }
0x1b: {  	[tilespmem:s14+$0x10] =	vst v0  }
0x1c: {  	s15 =	sadd.s32 $0x1000, s15;
	s17 =	sshll.u32 s16, $0x3;
	[tilespmem:s14+$0x20] =	vst v0  }
0x1d: {  	s19 =	sshll.u32 s16, $0x7;
	s18 =	sand.u32 $0xF000, s15;
	s16 =	sadd.s32 $0x1, s16;
	[tilespmem:s14+$0x30] =	vst v0  }
0x1e: {  	s15 =	sand.u32 $0xC000, s19;
	s16 =	sshrl.u32 s18, $0x2;
	[tilespmem:s14+$0x40] =	vst v0  }
0x1f: {  	s17 =	sand.u32 $0x380, s17;
	[tilespmem:s14+$0x50] =	vst v0;
	s15 =	sor.u32 s16, s15  }
0x20: {  	[tilespmem:s14+$0x60] =	vst v0;
	s15 =	sor.u32 s17, s15  }
0x21: {  	[tilespmem:s15+$0x70] =	vst v0  }
0x22: {  	[tilespmem:s15+$0x0] =	vst v0  }
0x23: {  	[tilespmem:s15+$0x10] =	vst v0  }
0x24: {  	[tilespmem:s15+$0x20] =	vst v0  }
0x25: {  	[tilespmem:s15+$0x30] =	vst v0  }
0x26: {  	[tilespmem:s15+$0x40] =	vst v0  }
0x27: {  	[tilespmem:s15+$0x50] =	vst v0  }
0x28: {  	s29 =	simm.s32 $0x0;
	[tilespmem:s15+$0x60] =	vst v0  }
0x29: {  	[tilespmem:s10], [sflag:$0x1] =	stream.linear.gather [hbm4b:s3+s29], $0x1000, $0x38;
	[tilespmem:$0x14000] =	vst v63  }
0x2a: {  	_ =	swait.ge [sflag:s11], $0x1000  }
0x2b: {  	[sflag:s11] =	ssyncset.done $0x0  }
0x2c: {  	[sflag:s11] =	ssyncadd.s32 $0xFFFFF000  }
0x2d: {  	[tilespmem:s12], [sflag:$0x1] =	stream.linear.gather [hbm4b:s4+s29], $0x1000, $0x38;
	[tilespmem:$0x14000] =	vst v63  }
0x2e: {  	_ =	swait.ge [sflag:s11], $0x1000  }
0x2f: {  	s30 =	simm.s32 $0x0;
	s14 =	sand.u32 $0x10, s29;
	[sflag:s11] =	ssyncset.done $0x0  }
0x30: {  	s14 =	sor.u32 s14, s30;
	[sflag:s11] =	ssyncadd.s32 $0xFFFFF000  }
0x31: {  	v1 =	vld [tilespmem:s14+$0x10000];
	_ =	sdelay $0x2  }
0x32: {  	s31 =	simm.s32 $0x0  }
0x33: {  	v2 =	vmov s31  }
0x34: {  	v3 =	vshll.u32 v2, $0xB;
	v4 =	vshll.u32 v1, $0x3  }
0x35: {  	v2 =	vshll.u32 v2, $0x7;
	v3 =	vand.u32 $0xC000, v3;
	v4 =	vand.u32 $0xFFFFFC00, v4  }
0x36: {  	v2 =	vand.u32 $0x380, v2;
	v3 =	vadd.s32 v3, v4  }
0x37: {  	v63 =	vand.u32 $0x7F, v1;
	v2 =	vor.u32 v2, v3  }
0x38: {  	v1 =	vld [tilespmem:s14+$0x12000];
	v2 =	vor.u32 v63, v2;
	_ =	sdelay $0x2  }
0x39: {  	s16 =	simm.s32 $0x0;
	s15 =	simm.s32 $0x2;
	s14 =	simm.s32 $0x10  }
.LBB2_4:
0x3a: {  	p0 =	sne.s32 s15, $0x3F;
	s17 =	sand.u32 $0x10, s14;
	s18 =	sshll.u32 s16, $0x7  }
0x3b: {  	s17 =	sor.u32 s17, s18;
	[tilespmem:v2+s1+$0x0] =	vst.idx.add.f32.msk $0xffff, v1  }
0x3c: {  	v1 =	vld [tilespmem:s17+$0x10000];
	_ =	sdelay $0x3  }
0x3d: {  	v2 =	vmov s16  }
0x3e: {  	v3 =	vshll.u32 v2, $0xB;
	v4 =	vshll.u32 v1, $0x3  }
0x3f: {  	v2 =	vshll.u32 v2, $0x7;
	v3 =	vand.u32 $0xC000, v3;
	v4 =	vand.u32 $0xFFFFFC00, v4  }
0x40: {  	v2 =	vand.u32 $0x380, v2;
	v3 =	vadd.s32 v3, v4  }
.Ltmp1:
0x41: {  	v4 =	vand.u32 $0x7F, v1;
	v2 =	vor.u32 v2, v3;
	(pc) =	sbr.rel @p0 .LBB2_4-.Ltmp1, $2  }
0x42: {  	v1 =	vld [tilespmem:s17+$0x12000];
	v2 =	vor.u32 v4, v2;
	_ =	sdelay $0x2  }
0x43: {  	s14 =	sadd.s32 $0x10, s14;
	s16 =	sshrl.u32 s15, $0x1;
	s15 =	sadd.s32 $0x1, s15  }
0x44: {  	_ =	sdelay $0x2  }
0x45: {  	s14 =	sand.u32 $0x10, s14;
	s15 =	sshll.u32 s16, $0x7  }
0x46: {  	s14 =	sor.u32 s14, s15;
	[tilespmem:v2+s1+$0x0] =	vst.idx.add.f32.msk $0xffff, v1  }
0x47: {  	v1 =	vld [tilespmem:s14+$0x10000];
	_ =	sdelay $0x3  }
0x48: {  	v2 =	vmov s16  }
0x49: {  	v3 =	vshll.u32 v2, $0xB;
	v4 =	vshll.u32 v1, $0x3  }
0x4a: {  	v2 =	vshll.u32 v2, $0x7;
	v3 =	vand.u32 $0xC000, v3;
	v4 =	vand.u32 $0xFFFFFC00, v4  }
0x4b: {  	v2 =	vand.u32 $0x380, v2;
	v3 =	vadd.s32 v3, v4  }
0x4c: {  	v1 =	vand.u32 $0x7F, v1;
	v2 =	vor.u32 v2, v3  }
0x4d: {  	v3 =	vld [tilespmem:s14+$0x12000];
	v1 =	vor.u32 v1, v2;
	_ =	sdelay $0x4  }
0x4e: {  	s29 =	simm.s32 $0x0;
	[tilespmem:v1+s1+$0x0] =	vst.idx.add.f32.msk $0xffff, v3  }
0x4f: {  	[hbm4b:s5+s29] =	stream.linear.scatter [tilespmem:s29], [sflag:$0x1], $0x10000, $0x38;
	[tilespmem:$0x14000] =	vst v63  }
0x50: {  	_ =	swait.ge [sflag:s11], $0x10000  }
0x51: {  	s30 =	simm.s32 $0x0;
	s14 =	sand.u32 $0x10, s29;
	[sflag:s11] =	ssyncset.done $0x0  }
0x52: {  	s14 =	sor.u32 s14, s30;
	[sflag:s11] =	ssyncadd.s32 $0xFFFF0000  }
0x53: {  	v1 =	vld [tilespmem:s14+$0x10000];
	_ =	sdelay $0x2  }
0x54: {  	s31 =	simm.s32 $0x0  }
0x55: {  	v2 =	vmov s31  }
0x56: {  	v3 =	vshll.u32 v2, $0xB;
	v62 =	vshll.u32 v1, $0x3  }
0x57: {  	v2 =	vshll.u32 v2, $0x7;
	v3 =	vand.u32 $0xC000, v3;
	v4 =	vand.u32 $0xFFFFFC00, v62  }
0x58: {  	v2 =	vand.u32 $0x380, v2;
	v3 =	vadd.s32 v3, v4  }
0x59: {  	v63 =	vand.u32 $0x7F, v1;
	v1 =	vld [tilespmem:s14+$0x12000];
	v2 =	vor.u32 v2, v3  }
0x5a: {  	v2 =	vor.u32 v63, v2;
	_ =	sdelay $0x2  }
0x5b: {  	s16 =	simm.s32 $0x0;
	s15 =	simm.s32 $0x2;
	s14 =	simm.s32 $0x10  }
.LBB2_6:
0x5c: {  	p0 =	sne.s32 s15, $0x3F;
	s17 =	sand.u32 $0x10, s14;
	s18 =	sshll.u32 s16, $0x7;
	v1 =	vxor.u32 $0x80000000, v1  }
0x5d: {  	s17 =	sor.u32 s17, s18;
	[tilespmem:v2+s1+$0x0] =	vst.idx.add.f32.msk $0xffff, v1  }
0x5e: {  	v2 =	vld [tilespmem:s17+$0x10000];
	_ =	sdelay $0x3  }
0x5f: {  	v1 =	vmov s16  }
0x60: {  	v3 =	vshll.u32 v1, $0xB;
	v4 =	vshll.u32 v2, $0x3  }
0x61: {  	v1 =	vshll.u32 v1, $0x7;
	v3 =	vand.u32 $0xC000, v3;
	v4 =	vand.u32 $0xFFFFFC00, v4  }
0x62: {  	v3 =	vadd.s32 v3, v4;
	v4 =	vand.u32 $0x380, v1  }
.Ltmp2:
0x63: {  	v2 =	vand.u32 $0x7F, v2;
	v1 =	vld [tilespmem:s17+$0x12000];
	v3 =	vor.u32 v4, v3;
	(pc) =	sbr.rel @p0 .LBB2_6-.Ltmp2, $2  }
0x64: {  	v2 =	vor.u32 v2, v3;
	_ =	sdelay $0x2  }
0x65: {  	s14 =	sadd.s32 $0x10, s14;
	s16 =	sshrl.u32 s15, $0x1;
	s15 =	sadd.s32 $0x1, s15  }
0x66: {  	_ =	sdelay $0x2  }
0x67: {  	s14 =	sand.u32 $0x10, s14;
	s15 =	sshll.u32 s16, $0x7;
	v1 =	vxor.u32 $0x80000000, v1  }
0x68: {  	s14 =	sor.u32 s14, s15;
	[tilespmem:v2+s1+$0x0] =	vst.idx.add.f32.msk $0xffff, v1  }
0x69: {  	v1 =	vld [tilespmem:s14+$0x10000];
	_ =	sdelay $0x3  }
0x6a: {  	v2 =	vmov s16  }
0x6b: {  	v3 =	vshll.u32 v2, $0xB;
	v4 =	vshll.u32 v1, $0x3  }
0x6c: {  	v2 =	vshll.u32 v2, $0x7;
	v3 =	vand.u32 $0xC000, v3;
	v4 =	vand.u32 $0xFFFFFC00, v4  }
0x6d: {  	v2 =	vand.u32 $0x380, v2;
	v3 =	vadd.s32 v3, v4  }
0x6e: {  	v61 =	vld [tilespmem:s14+$0x12000];
	v1 =	vand.u32 $0x7F, v1;
	v2 =	vor.u32 v2, v3  }
0x6f: {  	v1 =	vor.u32 v1, v2;
	_ =	sdelay $0x3  }
0x70: {  	v2 =	vxor.u32 $0x80000000, v61  }
0x71: {  	s29 =	simm.s32 $0x0;
	[tilespmem:v1+s1+$0x0] =	vst.idx.add.f32.msk $0xffff, v2  }
0x72: {  	[tilespmem:s10], [sflag:$0x1] =	stream.linear.gather [hbm4b:s6+s29], $0x1000, $0x38;
	[tilespmem:$0x14000] =	vst v63  }
0x73: {  	_ =	swait.ge [sflag:s11], $0x1000  }
0x74: {  	[sflag:s11] =	ssyncset.done $0x0  }
0x75: {  	[sflag:s11] =	ssyncadd.s32 $0xFFFFF000  }
0x76: {  	[tilespmem:s12], [sflag:$0x1] =	stream.linear.gather [hbm4b:s7+s29], $0x1000, $0x38;
	[tilespmem:$0x14000] =	vst v63  }
0x77: {  	_ =	swait.ge [sflag:s11], $0x1000  }
0x78: {  	s30 =	simm.s32 $0x0;
	s14 =	sand.u32 $0x10, s29;
	[sflag:s11] =	ssyncset.done $0x0  }
0x79: {  	s14 =	sor.u32 s14, s30;
	[sflag:s11] =	ssyncadd.s32 $0xFFFFF000  }
0x7a: {  	v1 =	vld [tilespmem:s14+$0x10000];
	_ =	sdelay $0x2  }
0x7b: {  	s31 =	simm.s32 $0x0  }
0x7c: {  	v2 =	vmov s31  }
0x7d: {  	v3 =	vshll.u32 v2, $0xB;
	v62 =	vshll.u32 v1, $0x3  }
0x7e: {  	v2 =	vshll.u32 v2, $0x7;
	v3 =	vand.u32 $0xC000, v3;
	v4 =	vand.u32 $0xFFFFFC00, v62  }
0x7f: {  	v2 =	vand.u32 $0x380, v2;
	v3 =	vadd.s32 v3, v4  }
0x80: {  	v63 =	vand.u32 $0x7F, v1;
	v2 =	vor.u32 v2, v3  }
0x81: {  	v1 =	vld [tilespmem:s14+$0x12000];
	v2 =	vor.u32 v63, v2;
	_ =	sdelay $0x2  }
0x82: {  	s16 =	simm.s32 $0x0;
	s15 =	simm.s32 $0x2;
	s14 =	simm.s32 $0x10  }
.LBB2_8:
0x83: {  	p0 =	sne.s32 s15, $0x3F;
	s17 =	sand.u32 $0x10, s14;
	s18 =	sshll.u32 s16, $0x7  }
0x84: {  	s17 =	sor.u32 s17, s18;
	[tilespmem:v2+s1+$0x0] =	vst.idx.add.f32.msk $0xffff, v1  }
0x85: {  	v1 =	vld [tilespmem:s17+$0x10000];
	_ =	sdelay $0x3  }
0x86: {  	v2 =	vmov s16  }
0x87: {  	v3 =	vshll.u32 v2, $0xB;
	v4 =	vshll.u32 v1, $0x3  }
0x88: {  	v2 =	vshll.u32 v2, $0x7;
	v3 =	vand.u32 $0xC000, v3;
	v4 =	vand.u32 $0xFFFFFC00, v4  }
0x89: {  	v2 =	vand.u32 $0x380, v2;
	v3 =	vadd.s32 v3, v4  }
.Ltmp3:
0x8a: {  	v4 =	vand.u32 $0x7F, v1;
	v2 =	vor.u32 v2, v3;
	(pc) =	sbr.rel @p0 .LBB2_8-.Ltmp3, $2  }
0x8b: {  	v1 =	vld [tilespmem:s17+$0x12000];
	v2 =	vor.u32 v4, v2;
	_ =	sdelay $0x2  }
0x8c: {  	s14 =	sadd.s32 $0x10, s14;
	s16 =	sshrl.u32 s15, $0x1;
	s15 =	sadd.s32 $0x1, s15  }
0x8d: {  	_ =	sdelay $0x2  }
0x8e: {  	s14 =	sand.u32 $0x10, s14;
	s15 =	sshll.u32 s16, $0x7  }
0x8f: {  	s14 =	sor.u32 s14, s15;
	[tilespmem:v2+s1+$0x0] =	vst.idx.add.f32.msk $0xffff, v1  }
0x90: {  	v1 =	vld [tilespmem:s14+$0x10000];
	_ =	sdelay $0x3  }
0x91: {  	v2 =	vmov s16  }
0x92: {  	v3 =	vshll.u32 v2, $0xB;
	v4 =	vshll.u32 v1, $0x3  }
0x93: {  	v2 =	vshll.u32 v2, $0x7;
	v3 =	vand.u32 $0xC000, v3;
	v4 =	vand.u32 $0xFFFFFC00, v4  }
0x94: {  	v2 =	vand.u32 $0x380, v2;
	v3 =	vadd.s32 v3, v4  }
0x95: {  	v1 =	vand.u32 $0x7F, v1;
	v2 =	vor.u32 v2, v3  }
0x96: {  	v3 =	vld [tilespmem:s14+$0x12000];
	v1 =	vor.u32 v1, v2;
	_ =	sdelay $0x2  }
0x97: {  	s13 =	sadd.s32 $0x1, s13  }
0x98: {  	p0 =	sne.s32 s13, s9  }
.Ltmp4:
0x99: {  	[tilespmem:v1+s1+$0x0] =	vst.idx.add.f32.msk $0xffff, v3;
	(pc) =	sbr.rel @p0 .LBB2_1-.Ltmp4, $4  }
0x9a: {  	[hbm4b:s8+s1] =	stream.linear.scatter [tilespmem:s1], [sflag:$0x1], $0x10000, $0x38;
	[tilespmem:$0x14000] =	vst v63  }
0x9b: {  	_ =	swait.ge [sflag:s11], $0x10000  }
0x9c: {  	[sflag:s11] =	ssyncset.done $0x0  }
0x9d: {  	[sflag:s11] =	ssyncadd.s32 $0xFFFF0000  }
0x9e: {  	_ =	sfence.sel $0x180000  }
0x9f: {  	[bflag:$0x0] =	sbarrier.arrive $0xFFFF  }
0xa0: {  	p0 =	sne.s32 s2, $0x0;
	_ =	strace $0x9000004D  }
0xa1: {  	s0 =	sadd.s32 @!p0 $0x100000, s0;
	[bflag:$0x2] =	sbarrier.arrive $0xFFFF  }
0xa2: {  	[sflag:s0] =	ssyncadd.tile.s32 @!p0 $0x1;
	_ =	shalt  }
.Lfunc_end2:
_tile_overlayer_lowered:
.L_overlay_start_2:
0xa3: {  	(tag) =	ssettag $0x2  }
0xa4: {  	s0 =	rddreg [dreg:$0x0];
	s2 =	stileid.u32  }
0xa5: {  	s1 =	rddreg [dreg:$0x1];
	p0 =	sne.s32 s2, $0x0  }
0xa6: {  	s3 =	rddreg [dreg:$0x2];
	[bflag:$0x3] =	sbarrier.arrive $0xFFFF;
	s2 =	simm.s32 @!p0 $0x1C01  }
0xa7: {  	[timem:s3], [sflag:s2] =	dma.local @!p0 [hbm:s0], s1  }
0xa8: {  	s0 =	simm.s32 @!p0 $0x1  }
0xa9: {  	_ =	swait.ge @!p0 [sflag:s0], s1  }
0xaa: {  	s1 =	ssub.s32 @!p0 $0x0, s1;
	[sflag:s0] =	ssyncset.done @!p0 $0x0  }
0xab: {  	[sflag:s0] =	ssyncadd.s32 @!p0 s1  }
0xac: {  	[bflag:$0x3] =	sbarrier.arrive $0xFFFF  }
0xad: {  	_ =	shalt  }

</sc_bundles>
